<compile_context>
chip_gen: v7x
topology: tpu7x:2x2x1
jax: 0.10.2.dev20260603
libtpu: 0.0.44.dev20260713+nightly
codegen_flags: <defaults>
</compile_context>

<pallas_src>
import functools

import jax
import jax.numpy as jnp
from jax import lax
from jax.experimental import pallas as pl
from jax.experimental.pallas import tpu as pltpu
from jax.experimental.pallas import tpu_sc as plsc

D_MODEL = 64
SCALE = 8.0
NUM_CORES = 2
NUM_SUBCORES = 16
NUM_WORKERS = NUM_CORES * NUM_SUBCORES
SUB = 128
K = 4
CHUNK = SUB * K
LANES = 16


@functools.partial(jax.jit, static_argnames=("n",))
def _sc_embed(x2d, table, n):
    per_w = n // NUM_WORKERS
    n_chunks = per_w // CHUNK
    n_pairs = n_chunks // 2
    idx_rows = per_w // SUB
    mesh = plsc.VectorSubcoreMesh(
        core_axis_name="c",
        subcore_axis_name="s",
        num_cores=NUM_CORES,
        num_subcores=NUM_SUBCORES,
    )

    @functools.partial(
        pl.kernel,
        mesh=mesh,
        out_type=jax.ShapeDtypeStruct((n, D_MODEL), jnp.float32),
        scratch_types=[
            pltpu.VMEM((idx_rows, SUB), jnp.int32),
            pltpu.VMEM((CHUNK, D_MODEL), jnp.float32),
            pltpu.VMEM((CHUNK, D_MODEL), jnp.float32),
            pltpu.SemaphoreType.DMA,
            pltpu.SemaphoreType.DMA,
            pltpu.SemaphoreType.DMA,
            pltpu.SemaphoreType.DMA,
        ],
        compiler_params=pltpu.CompilerParams(use_tc_tiling_on_sc=False),
    )
    def body(x_hbm, tab_hbm, out_hbm, idxb, buf0, buf1, sg0, sg1, so0, so1):
        wid = lax.axis_index("s") * NUM_CORES + lax.axis_index("c")
        base = wid * per_w
        base_row = base // SUB
        bufs = (buf0, buf1)
        gsems = (sg0, sg1)
        osems = (so0, so1)

        pltpu.sync_copy(x_hbm.at[pl.ds(base_row, idx_rows)], idxb)

        def fire_gathers(g, buf, sem):
            for j in range(K):
                pltpu.async_copy(
                    tab_hbm.at[idxb.at[g * K + j]],
                    buf.at[pl.ds(j * SUB, SUB)],
                    sem,
                )

        def wait_gathers(g, buf, sem):
            for j in range(K):
                pltpu.make_async_copy(
                    tab_hbm.at[idxb.at[g * K + j]],
                    buf.at[pl.ds(j * SUB, SUB)],
                    sem,
                ).wait()

        def out_slice(g):
            return out_hbm.at[
                pl.ds(pl.multiple_of(base + g * CHUNK, CHUNK), CHUNK)
            ]

        fire_gathers(0, buf0, sg0)

        def pair_body(t, _):
            for phase in range(2):
                g = 2 * t + phase
                buf = bufs[phase]
                other = bufs[1 - phase]
                wait_gathers(g, buf, gsems[phase])

                if phase == 0:
                    @pl.when(t >= 1)
                    def _():
                        pltpu.make_async_copy(
                            other, out_slice(g - 1), osems[1 - phase]
                        ).wait()
                        fire_gathers(g + 1, other, gsems[1 - phase])

                    @pl.when(t == 0)
                    def _():
                        fire_gathers(g + 1, other, gsems[1 - phase])
                else:
                    @pl.when(t < n_pairs - 1)
                    def _():
                        pltpu.make_async_copy(
                            other, out_slice(g - 1), osems[1 - phase]
                        ).wait()
                        fire_gathers(g + 1, other, gsems[1 - phase])

                def scale_body(r, _):
                    for c in range(D_MODEL // LANES):
                        sl = pl.ds(c * LANES, LANES)
                        buf[r, sl] = buf[r, sl] * SCALE
                    return ()

                lax.fori_loop(0, CHUNK, scale_body, (), unroll=2)
                pltpu.async_copy(buf, out_slice(g), osems[phase])
            return ()

        lax.fori_loop(0, n_pairs, pair_body, ())
        pltpu.make_async_copy(
            buf0, out_slice(n_chunks - 2), so0
        ).wait()
        pltpu.make_async_copy(
            buf1, out_slice(n_chunks - 1), so1
        ).wait()

    return body(x2d, table)


def kernel(x, table):
    b, s = x.shape
    n = b * s
    x2d = x.reshape(n // SUB, SUB).astype(jnp.int32)
    out = _sc_embed(x2d, table, n)
    return out.reshape(b, s, D_MODEL)

# --- scband reference (transcript-rebuilt; emitter-appended) ---
"""Pipeline reference for scband-token-embedding-4243427688461 (READ-ONLY COPY).

The authoritative reference and input builder live on the scoring server;
editing this copy changes nothing except your own understanding.
"""

import jax, jax.numpy as jnp
import numpy as np
import math

VOCAB_SIZE = 1000000
D_MODEL = 64
BATCH = 4096
SEQ_LEN = 200

def setup_inputs(seed: int = 0) -> dict:
    key = jax.random.key(seed)
    k_idx, k_tab = jax.random.split(key)
    x = jax.random.randint(k_idx, (BATCH, SEQ_LEN), 0, VOCAB_SIZE, dtype=jnp.int64 if jax.config.jax_enable_x64 else jnp.int32)
    table = jax.random.normal(k_tab, (VOCAB_SIZE, D_MODEL), dtype=jnp.float32)
    return {"x": x, "table": table}

def reference(x, table):
    # nn.Embedding lookup: gather rows of table by token id
    embedded = jnp.take(table, x, axis=0)  # [B, S, d_model]
    scale = math.sqrt(D_MODEL)
    return embedded * scale

if __name__ == "__main__":
    import jax
    _d = setup_inputs()
    print(jax.jit(kernel)(*tuple(_d.values())))

</pallas_src>

<mosaic_0001>
#map = affine_map<(d0, d1) -> (0, 0)>
module attributes {stable_mosaic.version = 14 : i64} {
  func.func @body(%arg0: i32, %arg1: i32, %arg2: memref<6400x128xi32, #tpu.memory_space<hbm>>, %arg3: memref<1000000x64xf32, #tpu.memory_space<hbm>>, %arg4: memref<819200x64xf32, #tpu.memory_space<hbm>>, %arg5: memref<200x128xi32, #tpu.memory_space<vmem>>, %arg6: memref<512x64xf32, #tpu.memory_space<vmem>>, %arg7: memref<512x64xf32, #tpu.memory_space<vmem>>, %arg8: memref<!tpu.dma_semaphore, #tpu.memory_space<semaphore_mem>>, %arg9: memref<!tpu.dma_semaphore, #tpu.memory_space<semaphore_mem>>, %arg10: memref<!tpu.dma_semaphore, #tpu.memory_space<semaphore_mem>>, %arg11: memref<!tpu.dma_semaphore, #tpu.memory_space<semaphore_mem>>) attributes {dimension_semantics = [#tpu.dimension_semantics<core_parallel>, #tpu.dimension_semantics<subcore_parallel>], iteration_bounds = array<i64: 2, 16>, scalar_prefetch = 0 : i64, scratch_operands = 7 : i64, tpu.core_type = #tpu.core_type<sc_vector_subcore>, window_params = [{transform_indices = #map}, {transform_indices = #map}, {transform_indices = #map}]} {
    %mul3A = arith.constant 2 : i32
    %mul3A_0 = arith.muli %arg1, %mul3A : i32
    %add3A = arith.addi %mul3A_0, %arg0 : i32
    %mul3A_1 = arith.constant 25600 : i32
    %mul3A_2 = arith.muli %add3A, %mul3A_1 : i32
    %jit3A = arith.constant 128 : i32
    %div3A = arith.divsi %mul3A_2, %jit3A : i32
    %sign3A = arith.constant 0 : i32
    %sign3A_3 = arith.cmpi sgt, %mul3A_2, %sign3A : i32
    %sign3A_4 = arith.extui %sign3A_3 : i1 to i32
    %sign3A_5 = arith.constant 0 : i32
    %sign3A_6 = arith.cmpi slt, %mul3A_2, %sign3A_5 : i32
    %sign3A_7 = arith.extui %sign3A_6 : i1 to i32
    %sign3A_8 = arith.subi %sign3A_4, %sign3A_7 : i32
    %sign3A_9 = arith.constant 0 : i32
    %sign3A_10 = arith.cmpi sgt, %jit3A, %sign3A_9 : i32
    %sign3A_11 = arith.extui %sign3A_10 : i1 to i32
    %sign3A_12 = arith.constant 0 : i32
    %sign3A_13 = arith.cmpi slt, %jit3A, %sign3A_12 : i32
    %sign3A_14 = arith.extui %sign3A_13 : i1 to i32
    %sign3A_15 = arith.subi %sign3A_11, %sign3A_14 : i32
    %ne3A = arith.cmpi ne, %sign3A_8, %sign3A_15 : i32
    %rem3A = arith.remsi %mul3A_2, %jit3A : i32
    %ne3A_16 = arith.constant 0 : i32
    %ne3A_17 = arith.cmpi ne, %rem3A, %ne3A_16 : i32
    %and3A = arith.andi %ne3A, %ne3A_17 : i1
    %sub3A = arith.constant 1 : i32
    %sub3A_18 = arith.subi %div3A, %sub3A : i32
    %select_n3A = arith.select %and3A, %sub3A_18, %div3A : i32
    "tpu.region"() ({
      %run_scoped3A = tpu.sem_alloc : memref<!tpu.dma_semaphore, #tpu.memory_space<semaphore_mem>>
      %dma_start3A_74 = arith.constant 0 : i32
      %dma_start3A_75 = tpu.memref_slice %arg2[%select_n3A, %dma_start3A_74] : memref<6400x128xi32, #tpu.memory_space<hbm>> -> memref<200x128xi32, #tpu.memory_space<hbm>>
      %dma_start3A_76 = arith.constant 0 : i32
      %dma_start3A_77 = tpu.memref_slice %arg2[%select_n3A, %dma_start3A_76] : memref<6400x128xi32, #tpu.memory_space<hbm>> -> memref<200x128xi32, #tpu.memory_space<hbm>>
      tpu.enqueue_dma source(%dma_start3A_77 : memref<200x128xi32, #tpu.memory_space<hbm>>) target(%arg5 : memref<200x128xi32, #tpu.memory_space<vmem>>) target_semaphore(%run_scoped3A : memref<!tpu.dma_semaphore, #tpu.memory_space<semaphore_mem>>)
      %dma_wait3A_78 = arith.constant 0 : i32
      %dma_wait3A_79 = tpu.memref_slice %arg2[%select_n3A, %dma_wait3A_78] : memref<6400x128xi32, #tpu.memory_space<hbm>> -> memref<200x128xi32, #tpu.memory_space<hbm>>
      %dma_wait3A_80 = arith.constant 0 : i32
      %dma_wait3A_81 = tpu.memref_slice %arg2[%select_n3A, %dma_wait3A_80] : memref<6400x128xi32, #tpu.memory_space<hbm>> -> memref<200x128xi32, #tpu.memory_space<hbm>>
      tpu.wait_dma2 semaphore(%run_scoped3A : memref<!tpu.dma_semaphore, #tpu.memory_space<semaphore_mem>>) src(%dma_wait3A_81 : memref<200x128xi32, #tpu.memory_space<hbm>>) dst(%arg5 : memref<200x128xi32, #tpu.memory_space<vmem>>)
      tpu.yield
    }) : () -> ()
    %dma_start3A = arith.constant 0 : i32
    %dma_start3A_19 = arith.constant 0 : i32
    %dma_start3A_20 = arith.constant 0 : i32
    %dma_start3A_21 = tpu.memref_slice %arg6[%dma_start3A_19, %dma_start3A_20] : memref<512x64xf32, #tpu.memory_space<vmem>> -> memref<128x64xf32, #tpu.memory_space<vmem>>
    %dma_start3A_22 = arith.constant 0 : i32
    %dma_start3A_23 = tpu.memref_slice %arg5[%dma_start3A, %dma_start3A_22] : memref<200x128xi32, #tpu.memory_space<vmem>> -> memref<1x128xi32, #tpu.memory_space<vmem>>
    %dma_start3A_24 = tpu.memref_squeeze %dma_start3A_23 : memref<1x128xi32, #tpu.memory_space<vmem>> -> memref<128xi32, #tpu.memory_space<vmem>>
    %dma_start3A_25 = arith.constant 0 : i32
    %dma_start3A_26 = arith.constant 0 : i32
    %dma_start3A_27 = tpu.memref_slice %arg3[%dma_start3A_25, %dma_start3A_26] : memref<1000000x64xf32, #tpu.memory_space<hbm>> -> memref<1000000x64xf32, #tpu.memory_space<hbm>>
    tpu.enqueue_indirect_dma source(%dma_start3A_27 : memref<1000000x64xf32, #tpu.memory_space<hbm>>) target(%dma_start3A_21 : memref<128x64xf32, #tpu.memory_space<vmem>>) offsets(%dma_start3A_24 : memref<128xi32, #tpu.memory_space<vmem>>) semaphore(%arg8 : memref<!tpu.dma_semaphore, #tpu.memory_space<semaphore_mem>>)
    %dma_start3A_28 = arith.constant 1 : i32
    %dma_start3A_29 = arith.constant 128 : i32
    %dma_start3A_30 = arith.constant 0 : i32
    %dma_start3A_31 = tpu.memref_slice %arg6[%dma_start3A_29, %dma_start3A_30] : memref<512x64xf32, #tpu.memory_space<vmem>> -> memref<128x64xf32, #tpu.memory_space<vmem>>
    %dma_start3A_32 = arith.constant 0 : i32
    %dma_start3A_33 = tpu.memref_slice %arg5[%dma_start3A_28, %dma_start3A_32] : memref<200x128xi32, #tpu.memory_space<vmem>> -> memref<1x128xi32, #tpu.memory_space<vmem>>
    %dma_start3A_34 = tpu.memref_squeeze %dma_start3A_33 : memref<1x128xi32, #tpu.memory_space<vmem>> -> memref<128xi32, #tpu.memory_space<vmem>>
    %dma_start3A_35 = arith.constant 0 : i32
    %dma_start3A_36 = arith.constant 0 : i32
    %dma_start3A_37 = tpu.memref_slice %arg3[%dma_start3A_35, %dma_start3A_36] : memref<1000000x64xf32, #tpu.memory_space<hbm>> -> memref<1000000x64xf32, #tpu.memory_space<hbm>>
    tpu.enqueue_indirect_dma source(%dma_start3A_37 : memref<1000000x64xf32, #tpu.memory_space<hbm>>) target(%dma_start3A_31 : memref<128x64xf32, #tpu.memory_space<vmem>>) offsets(%dma_start3A_34 : memref<128xi32, #tpu.memory_space<vmem>>) semaphore(%arg8 : memref<!tpu.dma_semaphore, #tpu.memory_space<semaphore_mem>>)
    %dma_start3A_38 = arith.constant 2 : i32
    %dma_start3A_39 = arith.constant 256 : i32
    %dma_start3A_40 = arith.constant 0 : i32
    %dma_start3A_41 = tpu.memref_slice %arg6[%dma_start3A_39, %dma_start3A_40] : memref<512x64xf32, #tpu.memory_space<vmem>> -> memref<128x64xf32, #tpu.memory_space<vmem>>
    %dma_start3A_42 = arith.constant 0 : i32
    %dma_start3A_43 = tpu.memref_slice %arg5[%dma_start3A_38, %dma_start3A_42] : memref<200x128xi32, #tpu.memory_space<vmem>> -> memref<1x128xi32, #tpu.memory_space<vmem>>
    %dma_start3A_44 = tpu.memref_squeeze %dma_start3A_43 : memref<1x128xi32, #tpu.memory_space<vmem>> -> memref<128xi32, #tpu.memory_space<vmem>>
    %dma_start3A_45 = arith.constant 0 : i32
    %dma_start3A_46 = arith.constant 0 : i32
    %dma_start3A_47 = tpu.memref_slice %arg3[%dma_start3A_45, %dma_start3A_46] : memref<1000000x64xf32, #tpu.memory_space<hbm>> -> memref<1000000x64xf32, #tpu.memory_space<hbm>>
    tpu.enqueue_indirect_dma source(%dma_start3A_47 : memref<1000000x64xf32, #tpu.memory_space<hbm>>) target(%dma_start3A_41 : memref<128x64xf32, #tpu.memory_space<vmem>>) offsets(%dma_start3A_44 : memref<128xi32, #tpu.memory_space<vmem>>) semaphore(%arg8 : memref<!tpu.dma_semaphore, #tpu.memory_space<semaphore_mem>>)
    %dma_start3A_48 = arith.constant 3 : i32
    %dma_start3A_49 = arith.constant 384 : i32
    %dma_start3A_50 = arith.constant 0 : i32
    %dma_start3A_51 = tpu.memref_slice %arg6[%dma_start3A_49, %dma_start3A_50] : memref<512x64xf32, #tpu.memory_space<vmem>> -> memref<128x64xf32, #tpu.memory_space<vmem>>
    %dma_start3A_52 = arith.constant 0 : i32
    %dma_start3A_53 = tpu.memref_slice %arg5[%dma_start3A_48, %dma_start3A_52] : memref<200x128xi32, #tpu.memory_space<vmem>> -> memref<1x128xi32, #tpu.memory_space<vmem>>
    %dma_start3A_54 = tpu.memref_squeeze %dma_start3A_53 : memref<1x128xi32, #tpu.memory_space<vmem>> -> memref<128xi32, #tpu.memory_space<vmem>>
    %dma_start3A_55 = arith.constant 0 : i32
    %dma_start3A_56 = arith.constant 0 : i32
    %dma_start3A_57 = tpu.memref_slice %arg3[%dma_start3A_55, %dma_start3A_56] : memref<1000000x64xf32, #tpu.memory_space<hbm>> -> memref<1000000x64xf32, #tpu.memory_space<hbm>>
    tpu.enqueue_indirect_dma source(%dma_start3A_57 : memref<1000000x64xf32, #tpu.memory_space<hbm>>) target(%dma_start3A_51 : memref<128x64xf32, #tpu.memory_space<vmem>>) offsets(%dma_start3A_54 : memref<128xi32, #tpu.memory_space<vmem>>) semaphore(%arg8 : memref<!tpu.dma_semaphore, #tpu.memory_space<semaphore_mem>>)
    %scan3A = arith.constant 0 : i32
    %scan3A_58 = arith.constant 25 : i32
    %scan3A_59 = arith.addi %scan3A, %scan3A_58 : i32
    %scan3A_60 = arith.constant 1 : i32
    scf.for %scan3A_74 = %scan3A to %scan3A_59 step %scan3A_60  : i32 {
      %mul3A_75 = arith.constant 2 : i32
      %mul3A_76 = arith.muli %mul3A_75, %scan3A_74 : i32
      %add3A_77 = arith.constant 0 : i32
      %add3A_78 = arith.addi %mul3A_76, %add3A_77 : i32
      %mul3A_79 = arith.constant 4 : i32
      %mul3A_80 = arith.muli %add3A_78, %mul3A_79 : i32
      %add3A_81 = arith.constant 0 : i32
      %add3A_82 = arith.addi %mul3A_80, %add3A_81 : i32
      %dma_wait3A_83 = arith.constant 0 : i32
      %dma_wait3A_84 = arith.constant 0 : i32
      %dma_wait3A_85 = tpu.memref_slice %arg6[%dma_wait3A_83, %dma_wait3A_84] : memref<512x64xf32, #tpu.memory_space<vmem>> -> memref<128x64xf32, #tpu.memory_space<vmem>>
      %dma_wait3A_86 = arith.constant 0 : i32
      %dma_wait3A_87 = tpu.memref_slice %arg5[%add3A_82, %dma_wait3A_86] : memref<200x128xi32, #tpu.memory_space<vmem>> -> memref<1x128xi32, #tpu.memory_space<vmem>>
      %dma_wait3A_88 = tpu.memref_squeeze %dma_wait3A_87 : memref<1x128xi32, #tpu.memory_space<vmem>> -> memref<128xi32, #tpu.memory_space<vmem>>
      %dma_wait3A_89 = arith.constant 0 : i32
      %dma_wait3A_90 = arith.constant 0 : i32
      %dma_wait3A_91 = tpu.memref_slice %arg3[%dma_wait3A_89, %dma_wait3A_90] : memref<1000000x64xf32, #tpu.memory_space<hbm>> -> memref<1000000x64xf32, #tpu.memory_space<hbm>>
      tpu.wait_indirect_dma semaphore(%arg8 : memref<!tpu.dma_semaphore, #tpu.memory_space<semaphore_mem>>) src(%dma_wait3A_91 : memref<1000000x64xf32, #tpu.memory_space<hbm>>) dst(%dma_wait3A_85 : memref<128x64xf32, #tpu.memory_space<vmem>>)
      %mul3A_92 = arith.constant 4 : i32
      %mul3A_93 = arith.muli %add3A_78, %mul3A_92 : i32
      %add3A_94 = arith.constant 1 : i32
      %add3A_95 = arith.addi %mul3A_93, %add3A_94 : i32
      %dma_wait3A_96 = arith.constant 128 : i32
      %dma_wait3A_97 = arith.constant 0 : i32
      %dma_wait3A_98 = tpu.memref_slice %arg6[%dma_wait3A_96, %dma_wait3A_97] : memref<512x64xf32, #tpu.memory_space<vmem>> -> memref<128x64xf32, #tpu.memory_space<vmem>>
      %dma_wait3A_99 = arith.constant 0 : i32
      %dma_wait3A_100 = tpu.memref_slice %arg5[%add3A_95, %dma_wait3A_99] : memref<200x128xi32, #tpu.memory_space<vmem>> -> memref<1x128xi32, #tpu.memory_space<vmem>>
      %dma_wait3A_101 = tpu.memref_squeeze %dma_wait3A_100 : memref<1x128xi32, #tpu.memory_space<vmem>> -> memref<128xi32, #tpu.memory_space<vmem>>
      %dma_wait3A_102 = arith.constant 0 : i32
      %dma_wait3A_103 = arith.constant 0 : i32
      %dma_wait3A_104 = tpu.memref_slice %arg3[%dma_wait3A_102, %dma_wait3A_103] : memref<1000000x64xf32, #tpu.memory_space<hbm>> -> memref<1000000x64xf32, #tpu.memory_space<hbm>>
      tpu.wait_indirect_dma semaphore(%arg8 : memref<!tpu.dma_semaphore, #tpu.memory_space<semaphore_mem>>) src(%dma_wait3A_104 : memref<1000000x64xf32, #tpu.memory_space<hbm>>) dst(%dma_wait3A_98 : memref<128x64xf32, #tpu.memory_space<vmem>>)
      %mul3A_105 = arith.constant 4 : i32
      %mul3A_106 = arith.muli %add3A_78, %mul3A_105 : i32
      %add3A_107 = arith.constant 2 : i32
      %add3A_108 = arith.addi %mul3A_106, %add3A_107 : i32
      %dma_wait3A_109 = arith.constant 256 : i32
      %dma_wait3A_110 = arith.constant 0 : i32
      %dma_wait3A_111 = tpu.memref_slice %arg6[%dma_wait3A_109, %dma_wait3A_110] : memref<512x64xf32, #tpu.memory_space<vmem>> -> memref<128x64xf32, #tpu.memory_space<vmem>>
      %dma_wait3A_112 = arith.constant 0 : i32
      %dma_wait3A_113 = tpu.memref_slice %arg5[%add3A_108, %dma_wait3A_112] : memref<200x128xi32, #tpu.memory_space<vmem>> -> memref<1x128xi32, #tpu.memory_space<vmem>>
      %dma_wait3A_114 = tpu.memref_squeeze %dma_wait3A_113 : memref<1x128xi32, #tpu.memory_space<vmem>> -> memref<128xi32, #tpu.memory_space<vmem>>
      %dma_wait3A_115 = arith.constant 0 : i32
      %dma_wait3A_116 = arith.constant 0 : i32
      %dma_wait3A_117 = tpu.memref_slice %arg3[%dma_wait3A_115, %dma_wait3A_116] : memref<1000000x64xf32, #tpu.memory_space<hbm>> -> memref<1000000x64xf32, #tpu.memory_space<hbm>>
      tpu.wait_indirect_dma semaphore(%arg8 : memref<!tpu.dma_semaphore, #tpu.memory_space<semaphore_mem>>) src(%dma_wait3A_117 : memref<1000000x64xf32, #tpu.memory_space<hbm>>) dst(%dma_wait3A_111 : memref<128x64xf32, #tpu.memory_space<vmem>>)
      %mul3A_118 = arith.constant 4 : i32
      %mul3A_119 = arith.muli %add3A_78, %mul3A_118 : i32
      %add3A_120 = arith.constant 3 : i32
      %add3A_121 = arith.addi %mul3A_119, %add3A_120 : i32
      %dma_wait3A_122 = arith.constant 384 : i32
      %dma_wait3A_123 = arith.constant 0 : i32
      %dma_wait3A_124 = tpu.memref_slice %arg6[%dma_wait3A_122, %dma_wait3A_123] : memref<512x64xf32, #tpu.memory_space<vmem>> -> memref<128x64xf32, #tpu.memory_space<vmem>>
      %dma_wait3A_125 = arith.constant 0 : i32
      %dma_wait3A_126 = tpu.memref_slice %arg5[%add3A_121, %dma_wait3A_125] : memref<200x128xi32, #tpu.memory_space<vmem>> -> memref<1x128xi32, #tpu.memory_space<vmem>>
      %dma_wait3A_127 = tpu.memref_squeeze %dma_wait3A_126 : memref<1x128xi32, #tpu.memory_space<vmem>> -> memref<128xi32, #tpu.memory_space<vmem>>
      %dma_wait3A_128 = arith.constant 0 : i32
      %dma_wait3A_129 = arith.constant 0 : i32
      %dma_wait3A_130 = tpu.memref_slice %arg3[%dma_wait3A_128, %dma_wait3A_129] : memref<1000000x64xf32, #tpu.memory_space<hbm>> -> memref<1000000x64xf32, #tpu.memory_space<hbm>>
      tpu.wait_indirect_dma semaphore(%arg8 : memref<!tpu.dma_semaphore, #tpu.memory_space<semaphore_mem>>) src(%dma_wait3A_130 : memref<1000000x64xf32, #tpu.memory_space<hbm>>) dst(%dma_wait3A_124 : memref<128x64xf32, #tpu.memory_space<vmem>>)
      %ge3A = arith.constant 1 : i32
      %ge3A_131 = arith.cmpi sge, %scan3A_74, %ge3A : i32
      %convert_element_type3A = arith.extui %ge3A_131 : i1 to i32
      %cond3A = arith.constant 0 : i32
      %cond3A_132 = arith.cmpi ne, %convert_element_type3A, %cond3A : i32
      scf.if %cond3A_132 {
        %sub3A_223 = arith.constant 1 : i32
        %sub3A_224 = arith.subi %add3A_78, %sub3A_223 : i32
        %mul3A_225 = arith.constant 512 : i32
        %mul3A_226 = arith.muli %sub3A_224, %mul3A_225 : i32
        %add3A_227 = arith.addi %mul3A_2, %mul3A_226 : i32
        %multiple_of3A_228 = tpu.assume_multiple %add3A_227, 512 : i32
        %dma_wait3A_229 = arith.constant 0 : i32
        %dma_wait3A_230 = tpu.memref_slice %arg4[%multiple_of3A_228, %dma_wait3A_229] : memref<819200x64xf32, #tpu.memory_space<hbm>> -> memref<512x64xf32, #tpu.memory_space<hbm>>
        %dma_wait3A_231 = arith.constant 0 : i32
        %dma_wait3A_232 = tpu.memref_slice %arg4[%multiple_of3A_228, %dma_wait3A_231] : memref<819200x64xf32, #tpu.memory_space<hbm>> -> memref<512x64xf32, #tpu.memory_space<hbm>>
        tpu.wait_dma2 semaphore(%arg11 : memref<!tpu.dma_semaphore, #tpu.memory_space<semaphore_mem>>) src(%arg7 : memref<512x64xf32, #tpu.memory_space<vmem>>) dst(%dma_wait3A_232 : memref<512x64xf32, #tpu.memory_space<hbm>>)
        %add3A_233 = arith.constant 1 : i32
        %add3A_234 = arith.addi %add3A_78, %add3A_233 : i32
        %mul3A_235 = arith.constant 4 : i32
        %mul3A_236 = arith.muli %add3A_234, %mul3A_235 : i32
        %add3A_237 = arith.constant 0 : i32
        %add3A_238 = arith.addi %mul3A_236, %add3A_237 : i32
        %dma_start3A_239 = arith.constant 0 : i32
        %dma_start3A_240 = arith.constant 0 : i32
        %dma_start3A_241 = tpu.memref_slice %arg7[%dma_start3A_239, %dma_start3A_240] : memref<512x64xf32, #tpu.memory_space<vmem>> -> memref<128x64xf32, #tpu.memory_space<vmem>>
        %dma_start3A_242 = arith.constant 0 : i32
        %dma_start3A_243 = tpu.memref_slice %arg5[%add3A_238, %dma_start3A_242] : memref<200x128xi32, #tpu.memory_space<vmem>> -> memref<1x128xi32, #tpu.memory_space<vmem>>
        %dma_start3A_244 = tpu.memref_squeeze %dma_start3A_243 : memref<1x128xi32, #tpu.memory_space<vmem>> -> memref<128xi32, #tpu.memory_space<vmem>>
        %dma_start3A_245 = arith.constant 0 : i32
        %dma_start3A_246 = arith.constant 0 : i32
        %dma_start3A_247 = tpu.memref_slice %arg3[%dma_start3A_245, %dma_start3A_246] : memref<1000000x64xf32, #tpu.memory_space<hbm>> -> memref<1000000x64xf32, #tpu.memory_space<hbm>>
        tpu.enqueue_indirect_dma source(%dma_start3A_247 : memref<1000000x64xf32, #tpu.memory_space<hbm>>) target(%dma_start3A_241 : memref<128x64xf32, #tpu.memory_space<vmem>>) offsets(%dma_start3A_244 : memref<128xi32, #tpu.memory_space<vmem>>) semaphore(%arg9 : memref<!tpu.dma_semaphore, #tpu.memory_space<semaphore_mem>>)
        %mul3A_248 = arith.constant 4 : i32
        %mul3A_249 = arith.muli %add3A_234, %mul3A_248 : i32
        %add3A_250 = arith.constant 1 : i32
        %add3A_251 = arith.addi %mul3A_249, %add3A_250 : i32
        %dma_start3A_252 = arith.constant 128 : i32
        %dma_start3A_253 = arith.constant 0 : i32
        %dma_start3A_254 = tpu.memref_slice %arg7[%dma_start3A_252, %dma_start3A_253] : memref<512x64xf32, #tpu.memory_space<vmem>> -> memref<128x64xf32, #tpu.memory_space<vmem>>
        %dma_start3A_255 = arith.constant 0 : i32
        %dma_start3A_256 = tpu.memref_slice %arg5[%add3A_251, %dma_start3A_255] : memref<200x128xi32, #tpu.memory_space<vmem>> -> memref<1x128xi32, #tpu.memory_space<vmem>>
        %dma_start3A_257 = tpu.memref_squeeze %dma_start3A_256 : memref<1x128xi32, #tpu.memory_space<vmem>> -> memref<128xi32, #tpu.memory_space<vmem>>
        %dma_start3A_258 = arith.constant 0 : i32
        %dma_start3A_259 = arith.constant 0 : i32
        %dma_start3A_260 = tpu.memref_slice %arg3[%dma_start3A_258, %dma_start3A_259] : memref<1000000x64xf32, #tpu.memory_space<hbm>> -> memref<1000000x64xf32, #tpu.memory_space<hbm>>
        tpu.enqueue_indirect_dma source(%dma_start3A_260 : memref<1000000x64xf32, #tpu.memory_space<hbm>>) target(%dma_start3A_254 : memref<128x64xf32, #tpu.memory_space<vmem>>) offsets(%dma_start3A_257 : memref<128xi32, #tpu.memory_space<vmem>>) semaphore(%arg9 : memref<!tpu.dma_semaphore, #tpu.memory_space<semaphore_mem>>)
        %mul3A_261 = arith.constant 4 : i32
        %mul3A_262 = arith.muli %add3A_234, %mul3A_261 : i32
        %add3A_263 = arith.constant 2 : i32
        %add3A_264 = arith.addi %mul3A_262, %add3A_263 : i32
        %dma_start3A_265 = arith.constant 256 : i32
        %dma_start3A_266 = arith.constant 0 : i32
        %dma_start3A_267 = tpu.memref_slice %arg7[%dma_start3A_265, %dma_start3A_266] : memref<512x64xf32, #tpu.memory_space<vmem>> -> memref<128x64xf32, #tpu.memory_space<vmem>>
        %dma_start3A_268 = arith.constant 0 : i32
        %dma_start3A_269 = tpu.memref_slice %arg5[%add3A_264, %dma_start3A_268] : memref<200x128xi32, #tpu.memory_space<vmem>> -> memref<1x128xi32, #tpu.memory_space<vmem>>
        %dma_start3A_270 = tpu.memref_squeeze %dma_start3A_269 : memref<1x128xi32, #tpu.memory_space<vmem>> -> memref<128xi32, #tpu.memory_space<vmem>>
        %dma_start3A_271 = arith.constant 0 : i32
        %dma_start3A_272 = arith.constant 0 : i32
        %dma_start3A_273 = tpu.memref_slice %arg3[%dma_start3A_271, %dma_start3A_272] : memref<1000000x64xf32, #tpu.memory_space<hbm>> -> memref<1000000x64xf32, #tpu.memory_space<hbm>>
        tpu.enqueue_indirect_dma source(%dma_start3A_273 : memref<1000000x64xf32, #tpu.memory_space<hbm>>) target(%dma_start3A_267 : memref<128x64xf32, #tpu.memory_space<vmem>>) offsets(%dma_start3A_270 : memref<128xi32, #tpu.memory_space<vmem>>) semaphore(%arg9 : memref<!tpu.dma_semaphore, #tpu.memory_space<semaphore_mem>>)
        %mul3A_274 = arith.constant 4 : i32
        %mul3A_275 = arith.muli %add3A_234, %mul3A_274 : i32
        %add3A_276 = arith.constant 3 : i32
        %add3A_277 = arith.addi %mul3A_275, %add3A_276 : i32
        %dma_start3A_278 = arith.constant 384 : i32
        %dma_start3A_279 = arith.constant 0 : i32
        %dma_start3A_280 = tpu.memref_slice %arg7[%dma_start3A_278, %dma_start3A_279] : memref<512x64xf32, #tpu.memory_space<vmem>> -> memref<128x64xf32, #tpu.memory_space<vmem>>
        %dma_start3A_281 = arith.constant 0 : i32
        %dma_start3A_282 = tpu.memref_slice %arg5[%add3A_277, %dma_start3A_281] : memref<200x128xi32, #tpu.memory_space<vmem>> -> memref<1x128xi32, #tpu.memory_space<vmem>>
        %dma_start3A_283 = tpu.memref_squeeze %dma_start3A_282 : memref<1x128xi32, #tpu.memory_space<vmem>> -> memref<128xi32, #tpu.memory_space<vmem>>
        %dma_start3A_284 = arith.constant 0 : i32
        %dma_start3A_285 = arith.constant 0 : i32
        %dma_start3A_286 = tpu.memref_slice %arg3[%dma_start3A_284, %dma_start3A_285] : memref<1000000x64xf32, #tpu.memory_space<hbm>> -> memref<1000000x64xf32, #tpu.memory_space<hbm>>
        tpu.enqueue_indirect_dma source(%dma_start3A_286 : memref<1000000x64xf32, #tpu.memory_space<hbm>>) target(%dma_start3A_280 : memref<128x64xf32, #tpu.memory_space<vmem>>) offsets(%dma_start3A_283 : memref<128xi32, #tpu.memory_space<vmem>>) semaphore(%arg9 : memref<!tpu.dma_semaphore, #tpu.memory_space<semaphore_mem>>)
      } else {
      }
      %eq3A = arith.constant 0 : i32
      %eq3A_133 = arith.cmpi eq, %scan3A_74, %eq3A : i32
      %convert_element_type3A_134 = arith.extui %eq3A_133 : i1 to i32
      %cond3A_135 = arith.constant 0 : i32
      %cond3A_136 = arith.cmpi ne, %convert_element_type3A_134, %cond3A_135 : i32
      scf.if %cond3A_136 {
        %add3A_223 = arith.constant 1 : i32
        %add3A_224 = arith.addi %add3A_78, %add3A_223 : i32
        %mul3A_225 = arith.constant 4 : i32
        %mul3A_226 = arith.muli %add3A_224, %mul3A_225 : i32
        %add3A_227 = arith.constant 0 : i32
        %add3A_228 = arith.addi %mul3A_226, %add3A_227 : i32
        %dma_start3A_229 = arith.constant 0 : i32
        %dma_start3A_230 = arith.constant 0 : i32
        %dma_start3A_231 = tpu.memref_slice %arg7[%dma_start3A_229, %dma_start3A_230] : memref<512x64xf32, #tpu.memory_space<vmem>> -> memref<128x64xf32, #tpu.memory_space<vmem>>
        %dma_start3A_232 = arith.constant 0 : i32
        %dma_start3A_233 = tpu.memref_slice %arg5[%add3A_228, %dma_start3A_232] : memref<200x128xi32, #tpu.memory_space<vmem>> -> memref<1x128xi32, #tpu.memory_space<vmem>>
        %dma_start3A_234 = tpu.memref_squeeze %dma_start3A_233 : memref<1x128xi32, #tpu.memory_space<vmem>> -> memref<128xi32, #tpu.memory_space<vmem>>
        %dma_start3A_235 = arith.constant 0 : i32
        %dma_start3A_236 = arith.constant 0 : i32
        %dma_start3A_237 = tpu.memref_slice %arg3[%dma_start3A_235, %dma_start3A_236] : memref<1000000x64xf32, #tpu.memory_space<hbm>> -> memref<1000000x64xf32, #tpu.memory_space<hbm>>
        tpu.enqueue_indirect_dma source(%dma_start3A_237 : memref<1000000x64xf32, #tpu.memory_space<hbm>>) target(%dma_start3A_231 : memref<128x64xf32, #tpu.memory_space<vmem>>) offsets(%dma_start3A_234 : memref<128xi32, #tpu.memory_space<vmem>>) semaphore(%arg9 : memref<!tpu.dma_semaphore, #tpu.memory_space<semaphore_mem>>)
        %mul3A_238 = arith.constant 4 : i32
        %mul3A_239 = arith.muli %add3A_224, %mul3A_238 : i32
        %add3A_240 = arith.constant 1 : i32
        %add3A_241 = arith.addi %mul3A_239, %add3A_240 : i32
        %dma_start3A_242 = arith.constant 128 : i32
        %dma_start3A_243 = arith.constant 0 : i32
        %dma_start3A_244 = tpu.memref_slice %arg7[%dma_start3A_242, %dma_start3A_243] : memref<512x64xf32, #tpu.memory_space<vmem>> -> memref<128x64xf32, #tpu.memory_space<vmem>>
        %dma_start3A_245 = arith.constant 0 : i32
        %dma_start3A_246 = tpu.memref_slice %arg5[%add3A_241, %dma_start3A_245] : memref<200x128xi32, #tpu.memory_space<vmem>> -> memref<1x128xi32, #tpu.memory_space<vmem>>
        %dma_start3A_247 = tpu.memref_squeeze %dma_start3A_246 : memref<1x128xi32, #tpu.memory_space<vmem>> -> memref<128xi32, #tpu.memory_space<vmem>>
        %dma_start3A_248 = arith.constant 0 : i32
        %dma_start3A_249 = arith.constant 0 : i32
        %dma_start3A_250 = tpu.memref_slice %arg3[%dma_start3A_248, %dma_start3A_249] : memref<1000000x64xf32, #tpu.memory_space<hbm>> -> memref<1000000x64xf32, #tpu.memory_space<hbm>>
        tpu.enqueue_indirect_dma source(%dma_start3A_250 : memref<1000000x64xf32, #tpu.memory_space<hbm>>) target(%dma_start3A_244 : memref<128x64xf32, #tpu.memory_space<vmem>>) offsets(%dma_start3A_247 : memref<128xi32, #tpu.memory_space<vmem>>) semaphore(%arg9 : memref<!tpu.dma_semaphore, #tpu.memory_space<semaphore_mem>>)
        %mul3A_251 = arith.constant 4 : i32
        %mul3A_252 = arith.muli %add3A_224, %mul3A_251 : i32
        %add3A_253 = arith.constant 2 : i32
        %add3A_254 = arith.addi %mul3A_252, %add3A_253 : i32
        %dma_start3A_255 = arith.constant 256 : i32
        %dma_start3A_256 = arith.constant 0 : i32
        %dma_start3A_257 = tpu.memref_slice %arg7[%dma_start3A_255, %dma_start3A_256] : memref<512x64xf32, #tpu.memory_space<vmem>> -> memref<128x64xf32, #tpu.memory_space<vmem>>
        %dma_start3A_258 = arith.constant 0 : i32
        %dma_start3A_259 = tpu.memref_slice %arg5[%add3A_254, %dma_start3A_258] : memref<200x128xi32, #tpu.memory_space<vmem>> -> memref<1x128xi32, #tpu.memory_space<vmem>>
        %dma_start3A_260 = tpu.memref_squeeze %dma_start3A_259 : memref<1x128xi32, #tpu.memory_space<vmem>> -> memref<128xi32, #tpu.memory_space<vmem>>
        %dma_start3A_261 = arith.constant 0 : i32
        %dma_start3A_262 = arith.constant 0 : i32
        %dma_start3A_263 = tpu.memref_slice %arg3[%dma_start3A_261, %dma_start3A_262] : memref<1000000x64xf32, #tpu.memory_space<hbm>> -> memref<1000000x64xf32, #tpu.memory_space<hbm>>
        tpu.enqueue_indirect_dma source(%dma_start3A_263 : memref<1000000x64xf32, #tpu.memory_space<hbm>>) target(%dma_start3A_257 : memref<128x64xf32, #tpu.memory_space<vmem>>) offsets(%dma_start3A_260 : memref<128xi32, #tpu.memory_space<vmem>>) semaphore(%arg9 : memref<!tpu.dma_semaphore, #tpu.memory_space<semaphore_mem>>)
        %mul3A_264 = arith.constant 4 : i32
        %mul3A_265 = arith.muli %add3A_224, %mul3A_264 : i32
        %add3A_266 = arith.constant 3 : i32
        %add3A_267 = arith.addi %mul3A_265, %add3A_266 : i32
        %dma_start3A_268 = arith.constant 384 : i32
        %dma_start3A_269 = arith.constant 0 : i32
        %dma_start3A_270 = tpu.memref_slice %arg7[%dma_start3A_268, %dma_start3A_269] : memref<512x64xf32, #tpu.memory_space<vmem>> -> memref<128x64xf32, #tpu.memory_space<vmem>>
        %dma_start3A_271 = arith.constant 0 : i32
        %dma_start3A_272 = tpu.memref_slice %arg5[%add3A_267, %dma_start3A_271] : memref<200x128xi32, #tpu.memory_space<vmem>> -> memref<1x128xi32, #tpu.memory_space<vmem>>
        %dma_start3A_273 = tpu.memref_squeeze %dma_start3A_272 : memref<1x128xi32, #tpu.memory_space<vmem>> -> memref<128xi32, #tpu.memory_space<vmem>>
        %dma_start3A_274 = arith.constant 0 : i32
        %dma_start3A_275 = arith.constant 0 : i32
        %dma_start3A_276 = tpu.memref_slice %arg3[%dma_start3A_274, %dma_start3A_275] : memref<1000000x64xf32, #tpu.memory_space<hbm>> -> memref<1000000x64xf32, #tpu.memory_space<hbm>>
        tpu.enqueue_indirect_dma source(%dma_start3A_276 : memref<1000000x64xf32, #tpu.memory_space<hbm>>) target(%dma_start3A_270 : memref<128x64xf32, #tpu.memory_space<vmem>>) offsets(%dma_start3A_273 : memref<128xi32, #tpu.memory_space<vmem>>) semaphore(%arg9 : memref<!tpu.dma_semaphore, #tpu.memory_space<semaphore_mem>>)
      } else {
      }
      %scan3A_137 = arith.constant 0 : i32
      %scan3A_138 = arith.constant 512 : i32
      %scan3A_139 = arith.addi %scan3A_137, %scan3A_138 : i32
      %scan3A_140 = arith.constant 2 : i32
      scf.for %scan3A_223 = %scan3A_137 to %scan3A_139 step %scan3A_140  : i32 {
        %get3A = arith.index_cast %scan3A_223 : i32 to index
        %get3A_224 = arith.constant 0 : index
        %get3A_225 = tpu.vector_load %arg6[%get3A, %get3A_224] {strides = array<i32>} : memref<512x64xf32, #tpu.memory_space<vmem>>, vector<1x16xf32>,
        %get3A_226 = vector.shape_cast %get3A_225 : vector<1x16xf32> to vector<16xf32>
        %mul3A_227 = arith.constant 8.000000e+00 : f32
        %mul3A_228 = vector.broadcast %mul3A_227 : f32 to vector<16xf32>
        %mul3A_229 = arith.mulf %get3A_226, %mul3A_228 : vector<16xf32>
        %swap3A = arith.index_cast %scan3A_223 : i32 to index
        %swap3A_230 = arith.constant 0 : index
        %swap3A_231 = tpu.vector_load %arg6[%swap3A, %swap3A_230] {strides = array<i32>} : memref<512x64xf32, #tpu.memory_space<vmem>>, vector<1x16xf32>,
        %swap3A_232 = vector.shape_cast %swap3A_231 : vector<1x16xf32> to vector<16xf32>
        %swap3A_233 = vector.shape_cast %mul3A_229 : vector<16xf32> to vector<1x16xf32>
        tpu.vector_store %arg6[%swap3A, %swap3A_230], %swap3A_233 {strides = array<i32>} : memref<512x64xf32, #tpu.memory_space<vmem>>, vector<1x16xf32>,
        %get3A_234 = arith.index_cast %scan3A_223 : i32 to index
        %get3A_235 = arith.constant 16 : index
        %get3A_236 = tpu.vector_load %arg6[%get3A_234, %get3A_235] {strides = array<i32>} : memref<512x64xf32, #tpu.memory_space<vmem>>, vector<1x16xf32>,
        %get3A_237 = vector.shape_cast %get3A_236 : vector<1x16xf32> to vector<16xf32>
        %mul3A_238 = arith.constant 8.000000e+00 : f32
        %mul3A_239 = vector.broadcast %mul3A_238 : f32 to vector<16xf32>
        %mul3A_240 = arith.mulf %get3A_237, %mul3A_239 : vector<16xf32>
        %swap3A_241 = arith.index_cast %scan3A_223 : i32 to index
        %swap3A_242 = arith.constant 16 : index
        %swap3A_243 = tpu.vector_load %arg6[%swap3A_241, %swap3A_242] {strides = array<i32>} : memref<512x64xf32, #tpu.memory_space<vmem>>, vector<1x16xf32>,
        %swap3A_244 = vector.shape_cast %swap3A_243 : vector<1x16xf32> to vector<16xf32>
        %swap3A_245 = vector.shape_cast %mul3A_240 : vector<16xf32> to vector<1x16xf32>
        tpu.vector_store %arg6[%swap3A_241, %swap3A_242], %swap3A_245 {strides = array<i32>} : memref<512x64xf32, #tpu.memory_space<vmem>>, vector<1x16xf32>,
        %get3A_246 = arith.index_cast %scan3A_223 : i32 to index
        %get3A_247 = arith.constant 32 : index
        %get3A_248 = tpu.vector_load %arg6[%get3A_246, %get3A_247] {strides = array<i32>} : memref<512x64xf32, #tpu.memory_space<vmem>>, vector<1x16xf32>,
        %get3A_249 = vector.shape_cast %get3A_248 : vector<1x16xf32> to vector<16xf32>
        %mul3A_250 = arith.constant 8.000000e+00 : f32
        %mul3A_251 = vector.broadcast %mul3A_250 : f32 to vector<16xf32>
        %mul3A_252 = arith.mulf %get3A_249, %mul3A_251 : vector<16xf32>
        %swap3A_253 = arith.index_cast %scan3A_223 : i32 to index
        %swap3A_254 = arith.constant 32 : index
        %swap3A_255 = tpu.vector_load %arg6[%swap3A_253, %swap3A_254] {strides = array<i32>} : memref<512x64xf32, #tpu.memory_space<vmem>>, vector<1x16xf32>,
        %swap3A_256 = vector.shape_cast %swap3A_255 : vector<1x16xf32> to vector<16xf32>
        %swap3A_257 = vector.shape_cast %mul3A_252 : vector<16xf32> to vector<1x16xf32>
        tpu.vector_store %arg6[%swap3A_253, %swap3A_254], %swap3A_257 {strides = array<i32>} : memref<512x64xf32, #tpu.memory_space<vmem>>, vector<1x16xf32>,
        %get3A_258 = arith.index_cast %scan3A_223 : i32 to index
        %get3A_259 = arith.constant 48 : index
        %get3A_260 = tpu.vector_load %arg6[%get3A_258, %get3A_259] {strides = array<i32>} : memref<512x64xf32, #tpu.memory_space<vmem>>, vector<1x16xf32>,
        %get3A_261 = vector.shape_cast %get3A_260 : vector<1x16xf32> to vector<16xf32>
        %mul3A_262 = arith.constant 8.000000e+00 : f32
        %mul3A_263 = vector.broadcast %mul3A_262 : f32 to vector<16xf32>
        %mul3A_264 = arith.mulf %get3A_261, %mul3A_263 : vector<16xf32>
        %swap3A_265 = arith.index_cast %scan3A_223 : i32 to index
        %swap3A_266 = arith.constant 48 : index
        %swap3A_267 = tpu.vector_load %arg6[%swap3A_265, %swap3A_266] {strides = array<i32>} : memref<512x64xf32, #tpu.memory_space<vmem>>, vector<1x16xf32>,
        %swap3A_268 = vector.shape_cast %swap3A_267 : vector<1x16xf32> to vector<16xf32>
        %swap3A_269 = vector.shape_cast %mul3A_264 : vector<16xf32> to vector<1x16xf32>
        tpu.vector_store %arg6[%swap3A_265, %swap3A_266], %swap3A_269 {strides = array<i32>} : memref<512x64xf32, #tpu.memory_space<vmem>>, vector<1x16xf32>,
        %scan3A_270 = arith.constant 1 : i32
        %scan3A_271 = arith.addi %scan3A_223, %scan3A_270 : i32
        %get3A_272 = arith.index_cast %scan3A_271 : i32 to index
        %get3A_273 = arith.constant 0 : index
        %get3A_274 = tpu.vector_load %arg6[%get3A_272, %get3A_273] {strides = array<i32>} : memref<512x64xf32, #tpu.memory_space<vmem>>, vector<1x16xf32>,
        %get3A_275 = vector.shape_cast %get3A_274 : vector<1x16xf32> to vector<16xf32>
        %mul3A_276 = arith.constant 8.000000e+00 : f32
        %mul3A_277 = vector.broadcast %mul3A_276 : f32 to vector<16xf32>
        %mul3A_278 = arith.mulf %get3A_275, %mul3A_277 : vector<16xf32>
        %swap3A_279 = arith.index_cast %scan3A_271 : i32 to index
        %swap3A_280 = arith.constant 0 : index
        %swap3A_281 = tpu.vector_load %arg6[%swap3A_279, %swap3A_280] {strides = array<i32>} : memref<512x64xf32, #tpu.memory_space<vmem>>, vector<1x16xf32>,
        %swap3A_282 = vector.shape_cast %swap3A_281 : vector<1x16xf32> to vector<16xf32>
        %swap3A_283 = vector.shape_cast %mul3A_278 : vector<16xf32> to vector<1x16xf32>
        tpu.vector_store %arg6[%swap3A_279, %swap3A_280], %swap3A_283 {strides = array<i32>} : memref<512x64xf32, #tpu.memory_space<vmem>>, vector<1x16xf32>,
        %get3A_284 = arith.index_cast %scan3A_271 : i32 to index
        %get3A_285 = arith.constant 16 : index
        %get3A_286 = tpu.vector_load %arg6[%get3A_284, %get3A_285] {strides = array<i32>} : memref<512x64xf32, #tpu.memory_space<vmem>>, vector<1x16xf32>,
        %get3A_287 = vector.shape_cast %get3A_286 : vector<1x16xf32> to vector<16xf32>
        %mul3A_288 = arith.constant 8.000000e+00 : f32
        %mul3A_289 = vector.broadcast %mul3A_288 : f32 to vector<16xf32>
        %mul3A_290 = arith.mulf %get3A_287, %mul3A_289 : vector<16xf32>
        %swap3A_291 = arith.index_cast %scan3A_271 : i32 to index
        %swap3A_292 = arith.constant 16 : index
        %swap3A_293 = tpu.vector_load %arg6[%swap3A_291, %swap3A_292] {strides = array<i32>} : memref<512x64xf32, #tpu.memory_space<vmem>>, vector<1x16xf32>,
        %swap3A_294 = vector.shape_cast %swap3A_293 : vector<1x16xf32> to vector<16xf32>
        %swap3A_295 = vector.shape_cast %mul3A_290 : vector<16xf32> to vector<1x16xf32>
        tpu.vector_store %arg6[%swap3A_291, %swap3A_292], %swap3A_295 {strides = array<i32>} : memref<512x64xf32, #tpu.memory_space<vmem>>, vector<1x16xf32>,
        %get3A_296 = arith.index_cast %scan3A_271 : i32 to index
        %get3A_297 = arith.constant 32 : index
        %get3A_298 = tpu.vector_load %arg6[%get3A_296, %get3A_297] {strides = array<i32>} : memref<512x64xf32, #tpu.memory_space<vmem>>, vector<1x16xf32>,
        %get3A_299 = vector.shape_cast %get3A_298 : vector<1x16xf32> to vector<16xf32>
        %mul3A_300 = arith.constant 8.000000e+00 : f32
        %mul3A_301 = vector.broadcast %mul3A_300 : f32 to vector<16xf32>
        %mul3A_302 = arith.mulf %get3A_299, %mul3A_301 : vector<16xf32>
        %swap3A_303 = arith.index_cast %scan3A_271 : i32 to index
        %swap3A_304 = arith.constant 32 : index
        %swap3A_305 = tpu.vector_load %arg6[%swap3A_303, %swap3A_304] {strides = array<i32>} : memref<512x64xf32, #tpu.memory_space<vmem>>, vector<1x16xf32>,
        %swap3A_306 = vector.shape_cast %swap3A_305 : vector<1x16xf32> to vector<16xf32>
        %swap3A_307 = vector.shape_cast %mul3A_302 : vector<16xf32> to vector<1x16xf32>
        tpu.vector_store %arg6[%swap3A_303, %swap3A_304], %swap3A_307 {strides = array<i32>} : memref<512x64xf32, #tpu.memory_space<vmem>>, vector<1x16xf32>,
        %get3A_308 = arith.index_cast %scan3A_271 : i32 to index
        %get3A_309 = arith.constant 48 : index
        %get3A_310 = tpu.vector_load %arg6[%get3A_308, %get3A_309] {strides = array<i32>} : memref<512x64xf32, #tpu.memory_space<vmem>>, vector<1x16xf32>,
        %get3A_311 = vector.shape_cast %get3A_310 : vector<1x16xf32> to vector<16xf32>
        %mul3A_312 = arith.constant 8.000000e+00 : f32
        %mul3A_313 = vector.broadcast %mul3A_312 : f32 to vector<16xf32>
        %mul3A_314 = arith.mulf %get3A_311, %mul3A_313 : vector<16xf32>
        %swap3A_315 = arith.index_cast %scan3A_271 : i32 to index
        %swap3A_316 = arith.constant 48 : index
        %swap3A_317 = tpu.vector_load %arg6[%swap3A_315, %swap3A_316] {strides = array<i32>} : memref<512x64xf32, #tpu.memory_space<vmem>>, vector<1x16xf32>,
        %swap3A_318 = vector.shape_cast %swap3A_317 : vector<1x16xf32> to vector<16xf32>
        %swap3A_319 = vector.shape_cast %mul3A_314 : vector<16xf32> to vector<1x16xf32>
        tpu.vector_store %arg6[%swap3A_315, %swap3A_316], %swap3A_319 {strides = array<i32>} : memref<512x64xf32, #tpu.memory_space<vmem>>, vector<1x16xf32>,
      }
      %scan3A_141 = arith.constant 512 : i32
      %mul3A_142 = arith.constant 512 : i32
      %mul3A_143 = arith.muli %add3A_78, %mul3A_142 : i32
      %add3A_144 = arith.addi %mul3A_2, %mul3A_143 : i32
      %multiple_of3A_145 = tpu.assume_multiple %add3A_144, 512 : i32
      %dma_start3A_146 = arith.constant 0 : i32
      %dma_start3A_147 = tpu.memref_slice %arg4[%multiple_of3A_145, %dma_start3A_146] : memref<819200x64xf32, #tpu.memory_space<hbm>> -> memref<512x64xf32, #tpu.memory_space<hbm>>
      %dma_start3A_148 = arith.constant 0 : i32
      %dma_start3A_149 = tpu.memref_slice %arg4[%multiple_of3A_145, %dma_start3A_148] : memref<819200x64xf32, #tpu.memory_space<hbm>> -> memref<512x64xf32, #tpu.memory_space<hbm>>
      tpu.enqueue_dma source(%arg6 : memref<512x64xf32, #tpu.memory_space<vmem>>) target(%dma_start3A_149 : memref<512x64xf32, #tpu.memory_space<hbm>>) target_semaphore(%arg10 : memref<!tpu.dma_semaphore, #tpu.memory_space<semaphore_mem>>)
      %mul3A_150 = arith.constant 2 : i32
      %mul3A_151 = arith.muli %mul3A_150, %scan3A_74 : i32
      %add3A_152 = arith.constant 1 : i32
      %add3A_153 = arith.addi %mul3A_151, %add3A_152 : i32
      %mul3A_154 = arith.constant 4 : i32
      %mul3A_155 = arith.muli %add3A_153, %mul3A_154 : i32
      %add3A_156 = arith.constant 0 : i32
      %add3A_157 = arith.addi %mul3A_155, %add3A_156 : i32
      %dma_wait3A_158 = arith.constant 0 : i32
      %dma_wait3A_159 = arith.constant 0 : i32
      %dma_wait3A_160 = tpu.memref_slice %arg7[%dma_wait3A_158, %dma_wait3A_159] : memref<512x64xf32, #tpu.memory_space<vmem>> -> memref<128x64xf32, #tpu.memory_space<vmem>>
      %dma_wait3A_161 = arith.constant 0 : i32
      %dma_wait3A_162 = tpu.memref_slice %arg5[%add3A_157, %dma_wait3A_161] : memref<200x128xi32, #tpu.memory_space<vmem>> -> memref<1x128xi32, #tpu.memory_space<vmem>>
      %dma_wait3A_163 = tpu.memref_squeeze %dma_wait3A_162 : memref<1x128xi32, #tpu.memory_space<vmem>> -> memref<128xi32, #tpu.memory_space<vmem>>
      %dma_wait3A_164 = arith.constant 0 : i32
      %dma_wait3A_165 = arith.constant 0 : i32
      %dma_wait3A_166 = tpu.memref_slice %arg3[%dma_wait3A_164, %dma_wait3A_165] : memref<1000000x64xf32, #tpu.memory_space<hbm>> -> memref<1000000x64xf32, #tpu.memory_space<hbm>>
      tpu.wait_indirect_dma semaphore(%arg9 : memref<!tpu.dma_semaphore, #tpu.memory_space<semaphore_mem>>) src(%dma_wait3A_166 : memref<1000000x64xf32, #tpu.memory_space<hbm>>) dst(%dma_wait3A_160 : memref<128x64xf32, #tpu.memory_space<vmem>>)
      %mul3A_167 = arith.constant 4 : i32
      %mul3A_168 = arith.muli %add3A_153, %mul3A_167 : i32
      %add3A_169 = arith.constant 1 : i32
      %add3A_170 = arith.addi %mul3A_168, %add3A_169 : i32
      %dma_wait3A_171 = arith.constant 128 : i32
      %dma_wait3A_172 = arith.constant 0 : i32
      %dma_wait3A_173 = tpu.memref_slice %arg7[%dma_wait3A_171, %dma_wait3A_172] : memref<512x64xf32, #tpu.memory_space<vmem>> -> memref<128x64xf32, #tpu.memory_space<vmem>>
      %dma_wait3A_174 = arith.constant 0 : i32
      %dma_wait3A_175 = tpu.memref_slice %arg5[%add3A_170, %dma_wait3A_174] : memref<200x128xi32, #tpu.memory_space<vmem>> -> memref<1x128xi32, #tpu.memory_space<vmem>>
      %dma_wait3A_176 = tpu.memref_squeeze %dma_wait3A_175 : memref<1x128xi32, #tpu.memory_space<vmem>> -> memref<128xi32, #tpu.memory_space<vmem>>
      %dma_wait3A_177 = arith.constant 0 : i32
      %dma_wait3A_178 = arith.constant 0 : i32
      %dma_wait3A_179 = tpu.memref_slice %arg3[%dma_wait3A_177, %dma_wait3A_178] : memref<1000000x64xf32, #tpu.memory_space<hbm>> -> memref<1000000x64xf32, #tpu.memory_space<hbm>>
      tpu.wait_indirect_dma semaphore(%arg9 : memref<!tpu.dma_semaphore, #tpu.memory_space<semaphore_mem>>) src(%dma_wait3A_179 : memref<1000000x64xf32, #tpu.memory_space<hbm>>) dst(%dma_wait3A_173 : memref<128x64xf32, #tpu.memory_space<vmem>>)
      %mul3A_180 = arith.constant 4 : i32
      %mul3A_181 = arith.muli %add3A_153, %mul3A_180 : i32
      %add3A_182 = arith.constant 2 : i32
      %add3A_183 = arith.addi %mul3A_181, %add3A_182 : i32
      %dma_wait3A_184 = arith.constant 256 : i32
      %dma_wait3A_185 = arith.constant 0 : i32
      %dma_wait3A_186 = tpu.memref_slice %arg7[%dma_wait3A_184, %dma_wait3A_185] : memref<512x64xf32, #tpu.memory_space<vmem>> -> memref<128x64xf32, #tpu.memory_space<vmem>>
      %dma_wait3A_187 = arith.constant 0 : i32
      %dma_wait3A_188 = tpu.memref_slice %arg5[%add3A_183, %dma_wait3A_187] : memref<200x128xi32, #tpu.memory_space<vmem>> -> memref<1x128xi32, #tpu.memory_space<vmem>>
      %dma_wait3A_189 = tpu.memref_squeeze %dma_wait3A_188 : memref<1x128xi32, #tpu.memory_space<vmem>> -> memref<128xi32, #tpu.memory_space<vmem>>
      %dma_wait3A_190 = arith.constant 0 : i32
      %dma_wait3A_191 = arith.constant 0 : i32
      %dma_wait3A_192 = tpu.memref_slice %arg3[%dma_wait3A_190, %dma_wait3A_191] : memref<1000000x64xf32, #tpu.memory_space<hbm>> -> memref<1000000x64xf32, #tpu.memory_space<hbm>>
      tpu.wait_indirect_dma semaphore(%arg9 : memref<!tpu.dma_semaphore, #tpu.memory_space<semaphore_mem>>) src(%dma_wait3A_192 : memref<1000000x64xf32, #tpu.memory_space<hbm>>) dst(%dma_wait3A_186 : memref<128x64xf32, #tpu.memory_space<vmem>>)
      %mul3A_193 = arith.constant 4 : i32
      %mul3A_194 = arith.muli %add3A_153, %mul3A_193 : i32
      %add3A_195 = arith.constant 3 : i32
      %add3A_196 = arith.addi %mul3A_194, %add3A_195 : i32
      %dma_wait3A_197 = arith.constant 384 : i32
      %dma_wait3A_198 = arith.constant 0 : i32
      %dma_wait3A_199 = tpu.memref_slice %arg7[%dma_wait3A_197, %dma_wait3A_198] : memref<512x64xf32, #tpu.memory_space<vmem>> -> memref<128x64xf32, #tpu.memory_space<vmem>>
      %dma_wait3A_200 = arith.constant 0 : i32
      %dma_wait3A_201 = tpu.memref_slice %arg5[%add3A_196, %dma_wait3A_200] : memref<200x128xi32, #tpu.memory_space<vmem>> -> memref<1x128xi32, #tpu.memory_space<vmem>>
      %dma_wait3A_202 = tpu.memref_squeeze %dma_wait3A_201 : memref<1x128xi32, #tpu.memory_space<vmem>> -> memref<128xi32, #tpu.memory_space<vmem>>
      %dma_wait3A_203 = arith.constant 0 : i32
      %dma_wait3A_204 = arith.constant 0 : i32
      %dma_wait3A_205 = tpu.memref_slice %arg3[%dma_wait3A_203, %dma_wait3A_204] : memref<1000000x64xf32, #tpu.memory_space<hbm>> -> memref<1000000x64xf32, #tpu.memory_space<hbm>>
      tpu.wait_indirect_dma semaphore(%arg9 : memref<!tpu.dma_semaphore, #tpu.memory_space<semaphore_mem>>) src(%dma_wait3A_205 : memref<1000000x64xf32, #tpu.memory_space<hbm>>) dst(%dma_wait3A_199 : memref<128x64xf32, #tpu.memory_space<vmem>>)
      %lt3A = arith.constant 24 : i32
      %lt3A_206 = arith.cmpi slt, %scan3A_74, %lt3A : i32
      %convert_element_type3A_207 = arith.extui %lt3A_206 : i1 to i32
      %cond3A_208 = arith.constant 0 : i32
      %cond3A_209 = arith.cmpi ne, %convert_element_type3A_207, %cond3A_208 : i32
      scf.if %cond3A_209 {
        %sub3A_223 = arith.constant 1 : i32
        %sub3A_224 = arith.subi %add3A_153, %sub3A_223 : i32
        %mul3A_225 = arith.constant 512 : i32
        %mul3A_226 = arith.muli %sub3A_224, %mul3A_225 : i32
        %add3A_227 = arith.addi %mul3A_2, %mul3A_226 : i32
        %multiple_of3A_228 = tpu.assume_multiple %add3A_227, 512 : i32
        %dma_wait3A_229 = arith.constant 0 : i32
        %dma_wait3A_230 = tpu.memref_slice %arg4[%multiple_of3A_228, %dma_wait3A_229] : memref<819200x64xf32, #tpu.memory_space<hbm>> -> memref<512x64xf32, #tpu.memory_space<hbm>>
        %dma_wait3A_231 = arith.constant 0 : i32
        %dma_wait3A_232 = tpu.memref_slice %arg4[%multiple_of3A_228, %dma_wait3A_231] : memref<819200x64xf32, #tpu.memory_space<hbm>> -> memref<512x64xf32, #tpu.memory_space<hbm>>
        tpu.wait_dma2 semaphore(%arg10 : memref<!tpu.dma_semaphore, #tpu.memory_space<semaphore_mem>>) src(%arg6 : memref<512x64xf32, #tpu.memory_space<vmem>>) dst(%dma_wait3A_232 : memref<512x64xf32, #tpu.memory_space<hbm>>)
        %add3A_233 = arith.constant 1 : i32
        %add3A_234 = arith.addi %add3A_153, %add3A_233 : i32
        %mul3A_235 = arith.constant 4 : i32
        %mul3A_236 = arith.muli %add3A_234, %mul3A_235 : i32
        %add3A_237 = arith.constant 0 : i32
        %add3A_238 = arith.addi %mul3A_236, %add3A_237 : i32
        %dma_start3A_239 = arith.constant 0 : i32
        %dma_start3A_240 = arith.constant 0 : i32
        %dma_start3A_241 = tpu.memref_slice %arg6[%dma_start3A_239, %dma_start3A_240] : memref<512x64xf32, #tpu.memory_space<vmem>> -> memref<128x64xf32, #tpu.memory_space<vmem>>
        %dma_start3A_242 = arith.constant 0 : i32
        %dma_start3A_243 = tpu.memref_slice %arg5[%add3A_238, %dma_start3A_242] : memref<200x128xi32, #tpu.memory_space<vmem>> -> memref<1x128xi32, #tpu.memory_space<vmem>>
        %dma_start3A_244 = tpu.memref_squeeze %dma_start3A_243 : memref<1x128xi32, #tpu.memory_space<vmem>> -> memref<128xi32, #tpu.memory_space<vmem>>
        %dma_start3A_245 = arith.constant 0 : i32
        %dma_start3A_246 = arith.constant 0 : i32
        %dma_start3A_247 = tpu.memref_slice %arg3[%dma_start3A_245, %dma_start3A_246] : memref<1000000x64xf32, #tpu.memory_space<hbm>> -> memref<1000000x64xf32, #tpu.memory_space<hbm>>
        tpu.enqueue_indirect_dma source(%dma_start3A_247 : memref<1000000x64xf32, #tpu.memory_space<hbm>>) target(%dma_start3A_241 : memref<128x64xf32, #tpu.memory_space<vmem>>) offsets(%dma_start3A_244 : memref<128xi32, #tpu.memory_space<vmem>>) semaphore(%arg8 : memref<!tpu.dma_semaphore, #tpu.memory_space<semaphore_mem>>)
        %mul3A_248 = arith.constant 4 : i32
        %mul3A_249 = arith.muli %add3A_234, %mul3A_248 : i32
        %add3A_250 = arith.constant 1 : i32
        %add3A_251 = arith.addi %mul3A_249, %add3A_250 : i32
        %dma_start3A_252 = arith.constant 128 : i32
        %dma_start3A_253 = arith.constant 0 : i32
        %dma_start3A_254 = tpu.memref_slice %arg6[%dma_start3A_252, %dma_start3A_253] : memref<512x64xf32, #tpu.memory_space<vmem>> -> memref<128x64xf32, #tpu.memory_space<vmem>>
        %dma_start3A_255 = arith.constant 0 : i32
        %dma_start3A_256 = tpu.memref_slice %arg5[%add3A_251, %dma_start3A_255] : memref<200x128xi32, #tpu.memory_space<vmem>> -> memref<1x128xi32, #tpu.memory_space<vmem>>
        %dma_start3A_257 = tpu.memref_squeeze %dma_start3A_256 : memref<1x128xi32, #tpu.memory_space<vmem>> -> memref<128xi32, #tpu.memory_space<vmem>>
        %dma_start3A_258 = arith.constant 0 : i32
        %dma_start3A_259 = arith.constant 0 : i32
        %dma_start3A_260 = tpu.memref_slice %arg3[%dma_start3A_258, %dma_start3A_259] : memref<1000000x64xf32, #tpu.memory_space<hbm>> -> memref<1000000x64xf32, #tpu.memory_space<hbm>>
        tpu.enqueue_indirect_dma source(%dma_start3A_260 : memref<1000000x64xf32, #tpu.memory_space<hbm>>) target(%dma_start3A_254 : memref<128x64xf32, #tpu.memory_space<vmem>>) offsets(%dma_start3A_257 : memref<128xi32, #tpu.memory_space<vmem>>) semaphore(%arg8 : memref<!tpu.dma_semaphore, #tpu.memory_space<semaphore_mem>>)
        %mul3A_261 = arith.constant 4 : i32
        %mul3A_262 = arith.muli %add3A_234, %mul3A_261 : i32
        %add3A_263 = arith.constant 2 : i32
        %add3A_264 = arith.addi %mul3A_262, %add3A_263 : i32
        %dma_start3A_265 = arith.constant 256 : i32
        %dma_start3A_266 = arith.constant 0 : i32
        %dma_start3A_267 = tpu.memref_slice %arg6[%dma_start3A_265, %dma_start3A_266] : memref<512x64xf32, #tpu.memory_space<vmem>> -> memref<128x64xf32, #tpu.memory_space<vmem>>
        %dma_start3A_268 = arith.constant 0 : i32
        %dma_start3A_269 = tpu.memref_slice %arg5[%add3A_264, %dma_start3A_268] : memref<200x128xi32, #tpu.memory_space<vmem>> -> memref<1x128xi32, #tpu.memory_space<vmem>>
        %dma_start3A_270 = tpu.memref_squeeze %dma_start3A_269 : memref<1x128xi32, #tpu.memory_space<vmem>> -> memref<128xi32, #tpu.memory_space<vmem>>
        %dma_start3A_271 = arith.constant 0 : i32
        %dma_start3A_272 = arith.constant 0 : i32
        %dma_start3A_273 = tpu.memref_slice %arg3[%dma_start3A_271, %dma_start3A_272] : memref<1000000x64xf32, #tpu.memory_space<hbm>> -> memref<1000000x64xf32, #tpu.memory_space<hbm>>
        tpu.enqueue_indirect_dma source(%dma_start3A_273 : memref<1000000x64xf32, #tpu.memory_space<hbm>>) target(%dma_start3A_267 : memref<128x64xf32, #tpu.memory_space<vmem>>) offsets(%dma_start3A_270 : memref<128xi32, #tpu.memory_space<vmem>>) semaphore(%arg8 : memref<!tpu.dma_semaphore, #tpu.memory_space<semaphore_mem>>)
        %mul3A_274 = arith.constant 4 : i32
        %mul3A_275 = arith.muli %add3A_234, %mul3A_274 : i32
        %add3A_276 = arith.constant 3 : i32
        %add3A_277 = arith.addi %mul3A_275, %add3A_276 : i32
        %dma_start3A_278 = arith.constant 384 : i32
        %dma_start3A_279 = arith.constant 0 : i32
        %dma_start3A_280 = tpu.memref_slice %arg6[%dma_start3A_278, %dma_start3A_279] : memref<512x64xf32, #tpu.memory_space<vmem>> -> memref<128x64xf32, #tpu.memory_space<vmem>>
        %dma_start3A_281 = arith.constant 0 : i32
        %dma_start3A_282 = tpu.memref_slice %arg5[%add3A_277, %dma_start3A_281] : memref<200x128xi32, #tpu.memory_space<vmem>> -> memref<1x128xi32, #tpu.memory_space<vmem>>
        %dma_start3A_283 = tpu.memref_squeeze %dma_start3A_282 : memref<1x128xi32, #tpu.memory_space<vmem>> -> memref<128xi32, #tpu.memory_space<vmem>>
        %dma_start3A_284 = arith.constant 0 : i32
        %dma_start3A_285 = arith.constant 0 : i32
        %dma_start3A_286 = tpu.memref_slice %arg3[%dma_start3A_284, %dma_start3A_285] : memref<1000000x64xf32, #tpu.memory_space<hbm>> -> memref<1000000x64xf32, #tpu.memory_space<hbm>>
        tpu.enqueue_indirect_dma source(%dma_start3A_286 : memref<1000000x64xf32, #tpu.memory_space<hbm>>) target(%dma_start3A_280 : memref<128x64xf32, #tpu.memory_space<vmem>>) offsets(%dma_start3A_283 : memref<128xi32, #tpu.memory_space<vmem>>) semaphore(%arg8 : memref<!tpu.dma_semaphore, #tpu.memory_space<semaphore_mem>>)
      } else {
      }
      %scan3A_210 = arith.constant 0 : i32
      %scan3A_211 = arith.constant 512 : i32
      %scan3A_212 = arith.addi %scan3A_210, %scan3A_211 : i32
      %scan3A_213 = arith.constant 2 : i32
      scf.for %scan3A_223 = %scan3A_210 to %scan3A_212 step %scan3A_213  : i32 {
        %get3A = arith.index_cast %scan3A_223 : i32 to index
        %get3A_224 = arith.constant 0 : index
        %get3A_225 = tpu.vector_load %arg7[%get3A, %get3A_224] {strides = array<i32>} : memref<512x64xf32, #tpu.memory_space<vmem>>, vector<1x16xf32>,
        %get3A_226 = vector.shape_cast %get3A_225 : vector<1x16xf32> to vector<16xf32>
        %mul3A_227 = arith.constant 8.000000e+00 : f32
        %mul3A_228 = vector.broadcast %mul3A_227 : f32 to vector<16xf32>
        %mul3A_229 = arith.mulf %get3A_226, %mul3A_228 : vector<16xf32>
        %swap3A = arith.index_cast %scan3A_223 : i32 to index
        %swap3A_230 = arith.constant 0 : index
        %swap3A_231 = tpu.vector_load %arg7[%swap3A, %swap3A_230] {strides = array<i32>} : memref<512x64xf32, #tpu.memory_space<vmem>>, vector<1x16xf32>,
        %swap3A_232 = vector.shape_cast %swap3A_231 : vector<1x16xf32> to vector<16xf32>
        %swap3A_233 = vector.shape_cast %mul3A_229 : vector<16xf32> to vector<1x16xf32>
        tpu.vector_store %arg7[%swap3A, %swap3A_230], %swap3A_233 {strides = array<i32>} : memref<512x64xf32, #tpu.memory_space<vmem>>, vector<1x16xf32>,
        %get3A_234 = arith.index_cast %scan3A_223 : i32 to index
        %get3A_235 = arith.constant 16 : index
        %get3A_236 = tpu.vector_load %arg7[%get3A_234, %get3A_235] {strides = array<i32>} : memref<512x64xf32, #tpu.memory_space<vmem>>, vector<1x16xf32>,
        %get3A_237 = vector.shape_cast %get3A_236 : vector<1x16xf32> to vector<16xf32>
        %mul3A_238 = arith.constant 8.000000e+00 : f32
        %mul3A_239 = vector.broadcast %mul3A_238 : f32 to vector<16xf32>
        %mul3A_240 = arith.mulf %get3A_237, %mul3A_239 : vector<16xf32>
        %swap3A_241 = arith.index_cast %scan3A_223 : i32 to index
        %swap3A_242 = arith.constant 16 : index
        %swap3A_243 = tpu.vector_load %arg7[%swap3A_241, %swap3A_242] {strides = array<i32>} : memref<512x64xf32, #tpu.memory_space<vmem>>, vector<1x16xf32>,
        %swap3A_244 = vector.shape_cast %swap3A_243 : vector<1x16xf32> to vector<16xf32>
        %swap3A_245 = vector.shape_cast %mul3A_240 : vector<16xf32> to vector<1x16xf32>
        tpu.vector_store %arg7[%swap3A_241, %swap3A_242], %swap3A_245 {strides = array<i32>} : memref<512x64xf32, #tpu.memory_space<vmem>>, vector<1x16xf32>,
        %get3A_246 = arith.index_cast %scan3A_223 : i32 to index
        %get3A_247 = arith.constant 32 : index
        %get3A_248 = tpu.vector_load %arg7[%get3A_246, %get3A_247] {strides = array<i32>} : memref<512x64xf32, #tpu.memory_space<vmem>>, vector<1x16xf32>,
        %get3A_249 = vector.shape_cast %get3A_248 : vector<1x16xf32> to vector<16xf32>
        %mul3A_250 = arith.constant 8.000000e+00 : f32
        %mul3A_251 = vector.broadcast %mul3A_250 : f32 to vector<16xf32>
        %mul3A_252 = arith.mulf %get3A_249, %mul3A_251 : vector<16xf32>
        %swap3A_253 = arith.index_cast %scan3A_223 : i32 to index
        %swap3A_254 = arith.constant 32 : index
        %swap3A_255 = tpu.vector_load %arg7[%swap3A_253, %swap3A_254] {strides = array<i32>} : memref<512x64xf32, #tpu.memory_space<vmem>>, vector<1x16xf32>,
        %swap3A_256 = vector.shape_cast %swap3A_255 : vector<1x16xf32> to vector<16xf32>
        %swap3A_257 = vector.shape_cast %mul3A_252 : vector<16xf32> to vector<1x16xf32>
        tpu.vector_store %arg7[%swap3A_253, %swap3A_254], %swap3A_257 {strides = array<i32>} : memref<512x64xf32, #tpu.memory_space<vmem>>, vector<1x16xf32>,
        %get3A_258 = arith.index_cast %scan3A_223 : i32 to index
        %get3A_259 = arith.constant 48 : index
        %get3A_260 = tpu.vector_load %arg7[%get3A_258, %get3A_259] {strides = array<i32>} : memref<512x64xf32, #tpu.memory_space<vmem>>, vector<1x16xf32>,
        %get3A_261 = vector.shape_cast %get3A_260 : vector<1x16xf32> to vector<16xf32>
        %mul3A_262 = arith.constant 8.000000e+00 : f32
        %mul3A_263 = vector.broadcast %mul3A_262 : f32 to vector<16xf32>
        %mul3A_264 = arith.mulf %get3A_261, %mul3A_263 : vector<16xf32>
        %swap3A_265 = arith.index_cast %scan3A_223 : i32 to index
        %swap3A_266 = arith.constant 48 : index
        %swap3A_267 = tpu.vector_load %arg7[%swap3A_265, %swap3A_266] {strides = array<i32>} : memref<512x64xf32, #tpu.memory_space<vmem>>, vector<1x16xf32>,
        %swap3A_268 = vector.shape_cast %swap3A_267 : vector<1x16xf32> to vector<16xf32>
        %swap3A_269 = vector.shape_cast %mul3A_264 : vector<16xf32> to vector<1x16xf32>
        tpu.vector_store %arg7[%swap3A_265, %swap3A_266], %swap3A_269 {strides = array<i32>} : memref<512x64xf32, #tpu.memory_space<vmem>>, vector<1x16xf32>,
        %scan3A_270 = arith.constant 1 : i32
        %scan3A_271 = arith.addi %scan3A_223, %scan3A_270 : i32
        %get3A_272 = arith.index_cast %scan3A_271 : i32 to index
        %get3A_273 = arith.constant 0 : index
        %get3A_274 = tpu.vector_load %arg7[%get3A_272, %get3A_273] {strides = array<i32>} : memref<512x64xf32, #tpu.memory_space<vmem>>, vector<1x16xf32>,
        %get3A_275 = vector.shape_cast %get3A_274 : vector<1x16xf32> to vector<16xf32>
        %mul3A_276 = arith.constant 8.000000e+00 : f32
        %mul3A_277 = vector.broadcast %mul3A_276 : f32 to vector<16xf32>
        %mul3A_278 = arith.mulf %get3A_275, %mul3A_277 : vector<16xf32>
        %swap3A_279 = arith.index_cast %scan3A_271 : i32 to index
        %swap3A_280 = arith.constant 0 : index
        %swap3A_281 = tpu.vector_load %arg7[%swap3A_279, %swap3A_280] {strides = array<i32>} : memref<512x64xf32, #tpu.memory_space<vmem>>, vector<1x16xf32>,
        %swap3A_282 = vector.shape_cast %swap3A_281 : vector<1x16xf32> to vector<16xf32>
        %swap3A_283 = vector.shape_cast %mul3A_278 : vector<16xf32> to vector<1x16xf32>
        tpu.vector_store %arg7[%swap3A_279, %swap3A_280], %swap3A_283 {strides = array<i32>} : memref<512x64xf32, #tpu.memory_space<vmem>>, vector<1x16xf32>,
        %get3A_284 = arith.index_cast %scan3A_271 : i32 to index
        %get3A_285 = arith.constant 16 : index
        %get3A_286 = tpu.vector_load %arg7[%get3A_284, %get3A_285] {strides = array<i32>} : memref<512x64xf32, #tpu.memory_space<vmem>>, vector<1x16xf32>,
        %get3A_287 = vector.shape_cast %get3A_286 : vector<1x16xf32> to vector<16xf32>
        %mul3A_288 = arith.constant 8.000000e+00 : f32
        %mul3A_289 = vector.broadcast %mul3A_288 : f32 to vector<16xf32>
        %mul3A_290 = arith.mulf %get3A_287, %mul3A_289 : vector<16xf32>
        %swap3A_291 = arith.index_cast %scan3A_271 : i32 to index
        %swap3A_292 = arith.constant 16 : index
        %swap3A_293 = tpu.vector_load %arg7[%swap3A_291, %swap3A_292] {strides = array<i32>} : memref<512x64xf32, #tpu.memory_space<vmem>>, vector<1x16xf32>,
        %swap3A_294 = vector.shape_cast %swap3A_293 : vector<1x16xf32> to vector<16xf32>
        %swap3A_295 = vector.shape_cast %mul3A_290 : vector<16xf32> to vector<1x16xf32>
        tpu.vector_store %arg7[%swap3A_291, %swap3A_292], %swap3A_295 {strides = array<i32>} : memref<512x64xf32, #tpu.memory_space<vmem>>, vector<1x16xf32>,
        %get3A_296 = arith.index_cast %scan3A_271 : i32 to index
        %get3A_297 = arith.constant 32 : index
        %get3A_298 = tpu.vector_load %arg7[%get3A_296, %get3A_297] {strides = array<i32>} : memref<512x64xf32, #tpu.memory_space<vmem>>, vector<1x16xf32>,
        %get3A_299 = vector.shape_cast %get3A_298 : vector<1x16xf32> to vector<16xf32>
        %mul3A_300 = arith.constant 8.000000e+00 : f32
        %mul3A_301 = vector.broadcast %mul3A_300 : f32 to vector<16xf32>
        %mul3A_302 = arith.mulf %get3A_299, %mul3A_301 : vector<16xf32>
        %swap3A_303 = arith.index_cast %scan3A_271 : i32 to index
        %swap3A_304 = arith.constant 32 : index
        %swap3A_305 = tpu.vector_load %arg7[%swap3A_303, %swap3A_304] {strides = array<i32>} : memref<512x64xf32, #tpu.memory_space<vmem>>, vector<1x16xf32>,
        %swap3A_306 = vector.shape_cast %swap3A_305 : vector<1x16xf32> to vector<16xf32>
        %swap3A_307 = vector.shape_cast %mul3A_302 : vector<16xf32> to vector<1x16xf32>
        tpu.vector_store %arg7[%swap3A_303, %swap3A_304], %swap3A_307 {strides = array<i32>} : memref<512x64xf32, #tpu.memory_space<vmem>>, vector<1x16xf32>,
        %get3A_308 = arith.index_cast %scan3A_271 : i32 to index
        %get3A_309 = arith.constant 48 : index
        %get3A_310 = tpu.vector_load %arg7[%get3A_308, %get3A_309] {strides = array<i32>} : memref<512x64xf32, #tpu.memory_space<vmem>>, vector<1x16xf32>,
        %get3A_311 = vector.shape_cast %get3A_310 : vector<1x16xf32> to vector<16xf32>
        %mul3A_312 = arith.constant 8.000000e+00 : f32
        %mul3A_313 = vector.broadcast %mul3A_312 : f32 to vector<16xf32>
        %mul3A_314 = arith.mulf %get3A_311, %mul3A_313 : vector<16xf32>
        %swap3A_315 = arith.index_cast %scan3A_271 : i32 to index
        %swap3A_316 = arith.constant 48 : index
        %swap3A_317 = tpu.vector_load %arg7[%swap3A_315, %swap3A_316] {strides = array<i32>} : memref<512x64xf32, #tpu.memory_space<vmem>>, vector<1x16xf32>,
        %swap3A_318 = vector.shape_cast %swap3A_317 : vector<1x16xf32> to vector<16xf32>
        %swap3A_319 = vector.shape_cast %mul3A_314 : vector<16xf32> to vector<1x16xf32>
        tpu.vector_store %arg7[%swap3A_315, %swap3A_316], %swap3A_319 {strides = array<i32>} : memref<512x64xf32, #tpu.memory_space<vmem>>, vector<1x16xf32>,
      }
      %scan3A_214 = arith.constant 512 : i32
      %mul3A_215 = arith.constant 512 : i32
      %mul3A_216 = arith.muli %add3A_153, %mul3A_215 : i32
      %add3A_217 = arith.addi %mul3A_2, %mul3A_216 : i32
      %multiple_of3A_218 = tpu.assume_multiple %add3A_217, 512 : i32
      %dma_start3A_219 = arith.constant 0 : i32
      %dma_start3A_220 = tpu.memref_slice %arg4[%multiple_of3A_218, %dma_start3A_219] : memref<819200x64xf32, #tpu.memory_space<hbm>> -> memref<512x64xf32, #tpu.memory_space<hbm>>
      %dma_start3A_221 = arith.constant 0 : i32
      %dma_start3A_222 = tpu.memref_slice %arg4[%multiple_of3A_218, %dma_start3A_221] : memref<819200x64xf32, #tpu.memory_space<hbm>> -> memref<512x64xf32, #tpu.memory_space<hbm>>
      tpu.enqueue_dma source(%arg7 : memref<512x64xf32, #tpu.memory_space<vmem>>) target(%dma_start3A_222 : memref<512x64xf32, #tpu.memory_space<hbm>>) target_semaphore(%arg11 : memref<!tpu.dma_semaphore, #tpu.memory_space<semaphore_mem>>)
    }
    %scan3A_61 = arith.constant 25 : i32
    %add3A_62 = arith.constant 24576 : i32
    %add3A_63 = arith.addi %mul3A_2, %add3A_62 : i32
    %multiple_of3A = tpu.assume_multiple %add3A_63, 512 : i32
    %dma_wait3A = arith.constant 0 : i32
    %dma_wait3A_64 = tpu.memref_slice %arg4[%multiple_of3A, %dma_wait3A] : memref<819200x64xf32, #tpu.memory_space<hbm>> -> memref<512x64xf32, #tpu.memory_space<hbm>>
    %dma_wait3A_65 = arith.constant 0 : i32
    %dma_wait3A_66 = tpu.memref_slice %arg4[%multiple_of3A, %dma_wait3A_65] : memref<819200x64xf32, #tpu.memory_space<hbm>> -> memref<512x64xf32, #tpu.memory_space<hbm>>
    tpu.wait_dma2 semaphore(%arg10 : memref<!tpu.dma_semaphore, #tpu.memory_space<semaphore_mem>>) src(%arg6 : memref<512x64xf32, #tpu.memory_space<vmem>>) dst(%dma_wait3A_66 : memref<512x64xf32, #tpu.memory_space<hbm>>)
    %add3A_67 = arith.constant 25088 : i32
    %add3A_68 = arith.addi %mul3A_2, %add3A_67 : i32
    %multiple_of3A_69 = tpu.assume_multiple %add3A_68, 512 : i32
    %dma_wait3A_70 = arith.constant 0 : i32
    %dma_wait3A_71 = tpu.memref_slice %arg4[%multiple_of3A_69, %dma_wait3A_70] : memref<819200x64xf32, #tpu.memory_space<hbm>> -> memref<512x64xf32, #tpu.memory_space<hbm>>
    %dma_wait3A_72 = arith.constant 0 : i32
    %dma_wait3A_73 = tpu.memref_slice %arg4[%multiple_of3A_69, %dma_wait3A_72] : memref<819200x64xf32, #tpu.memory_space<hbm>> -> memref<512x64xf32, #tpu.memory_space<hbm>>
    tpu.wait_dma2 semaphore(%arg11 : memref<!tpu.dma_semaphore, #tpu.memory_space<semaphore_mem>>) src(%arg7 : memref<512x64xf32, #tpu.memory_space<vmem>>) dst(%dma_wait3A_73 : memref<512x64xf32, #tpu.memory_space<hbm>>)
    return
  }
}

</mosaic_0001>

<sc_bundles>
// kernel: _sc_embed.3.cloned.1.call-start
scs
__scs_entry_jumppad:
0x0: {  	(pc) =	sbr.rel $0x88, $3  }
0x1: {  	(tag) =	ssettag $0x0;
	lr =	simm.s32 $0x1  }
0x2: {  	[smem:$0x3F9F] =	sst lr;
	_ =	strace $0xD0000000  }
0x3: {  	_ = 	snop  }
0x4: {  	_ = 	snop  }
0x5: {  	_ = 	snop  }
0x6: {  	_ = 	snop  }
0x7: {  	_ = 	snop  }
__scs_overlays_trampoline_lowered:
0x8: {  	[smem:$0x3FAE] =	sst s0  }
0x9: {  	[smem:$0x3FAF] =	sst s1  }
0xa: {  	[smem:$0x3FB0] =	sst s2  }
0xb: {  	[smem:$0x3FB1] =	sst s3  }
0xc: {  	[smem:$0x3FB2] =	sst s4  }
0xd: {  	[smem:$0x3FB3] =	sst s5  }
0xe: {  	[smem:$0x3FB4] =	sst s6  }
0xf: {  	[smem:$0x3FB5] =	sst s7  }
0x10: {  	[smem:$0x3FB6] =	sst s8  }
0x11: {  	[smem:$0x3FB7] =	sst s9;
	s0 =	simm.s32 @!p0 $0x0  }
0x12: {  	s1 =	sld [smem:$0x3F9D];
	s0 =	simm.s32 @p0 $0x1  }
0x13: {  	[smem:$0x3FB8] =	sst s0;
	s0 =	simm.s32 @!p1 $0x0  }
0x14: {  	s2 =	sld [smem:$0x3F9C];
	s0 =	simm.s32 @p1 $0x1  }
0x15: {  	[smem:$0x3FB9] =	sst s0;
	s0 =	simm.s32 @!p2 $0x0  }
0x16: {  	s3 =	sld [smem:$0x3FDB];
	s0 =	simm.s32 @p2 $0x1  }
0x17: {  	s4 =	simm.s32 $0x1BF5;
	[smem:$0x3FBB] =	sst s0  }
0x18: {  	s0 =	sld [smem:$0x3F9E];
	_ =	swait.ge [sflag:s4], $0x0  }
0x19: {  	s7 =	sld [smem:$0x3F9F]  }
0x1a: {  	s8 =	sadd.s32 $0xFFFFE003, lr  }
0x1b: {  	s9 =	sadd.s32 $0xFFFFFEF7, lr;
	s5 =	simm.s32 $0xFFFFFFFF;
	p2 =	slt.u32 s8, $0xFFFFF086  }
0x1c: {  	p1 =	slt.u32 s9, $0xF7A;
	s5 =	simm.s32 @!p2 $0x0  }
0x1d: {  	s5 =	simm.s32 @p1 $0x1;
	p0 =	seq.s32 s7, s2  }
0x1e: {  	s7 =	smul.u32 @!p0 $0xF7A, s2;
	p2 =	seq.s32 @!p0 s5, $0x0  }
0x1f: {  	s9 =	smul.u32 $0xF7A, s1;
	s8 =	simm.s32 @!p0 $0x1BF5;
	p2 =	por !p2, p0  }
0x20: {  	[sflag:s8] =	ssyncset.s32 @!p0 $0xFFFFF086;
	s6 =	sadd.s32 @!p0 s3, s7;
	s7 =	simm.s32 @!p0 $0x108  }
0x21: {  	s3 =	sadd.s32 s3, s9;
	s6 =	sadd.s32 @!p0 $0x88, s6;
	s7 =	simm.s32 @p2 $0x1082  }
0x22: {  	[simem:s7], [sflag:s8] =	dma.local @!p0 [hbm:s6], $0xF7A  }
0x23: {  	s9 =	sor.u32 $0xD0000000, s2;
	s6 =	simm.s32 $0x108;
	_ =	swait.ge @!p0 [sflag:s8], $0x0  }
0x24: {  	s3 =	sadd.s32 $0x88, s3;
	s6 =	simm.s32 @!p1 $0x1082;
	[sflag:s4] =	ssyncset.s32 $0xFFFFF086  }
0x25: {  	[simem:s6], [sflag:s4] =	dma.local [hbm:s3], $0xF7A  }
0x26: {  	[smem:$0x3F9F] =	sst s1;
	(tag) =	ssettag s2;
	_ =	strace s9  }
0x27: {  	s1 =	sld [smem:$0x3FAF]  }
0x28: {  	s2 =	sld [smem:$0x3FB0]  }
0x29: {  	s4 =	sld [smem:$0x3FB2]  }
0x2a: {  	p0 =	seq.s32 s5, $0x0;
	s5 =	sld [smem:$0x3FB3]  }
0x2b: {  	s6 =	sld [smem:$0x3FB4]  }
0x2c: {  	s7 =	sld [smem:$0x3FB5]  }
0x2d: {  	s3 =	simm.s32 $0x108;
	s8 =	sld [smem:$0x3FB6]  }
0x2e: {  	s3 =	simm.s32 @!p0 $0x1082;
	s9 =	sld [smem:$0x3FB7]  }
0x2f: {  	lr =	sadd.s32 s0, s3;
	s0 =	sld [smem:$0x3FAE]  }
0x30: {  	s3 =	sld [smem:$0x3FB1]  }
0x31: {  	[smem:$0x3FBA] =	sst s10  }
0x32: {  	s10 =	sld [smem:$0x3FB8];
	_ =	sdelay $0x3  }
0x33: {  	p0 =	seq.s32 s10, $0x1;
	s10 =	sld [smem:$0x3FBA];
	_ =	sdelay $0x3  }
0x34: {  	[smem:$0x3FBA] =	sst s10  }
0x35: {  	s10 =	sld [smem:$0x3FB9];
	_ =	sdelay $0x3  }
0x36: {  	p1 =	seq.s32 s10, $0x1;
	s10 =	sld [smem:$0x3FBA];
	_ =	sdelay $0x3  }
0x37: {  	[smem:$0x3FBA] =	sst s10  }
0x38: {  	s10 =	sld [smem:$0x3FBB]  }
0x39: {  	_ = 	snop;
	(pc) =	sbr.ind lr, $3  }
0x3a: {  	_ = 	snop  }
0x3b: {  	_ = 	snop  }
0x3c: {  	p2 =	seq.s32 s10, $0x1;
	s10 =	sld [smem:$0x3FBA]  }
0x3d: {  	_ =	shalt  }
0x3e: {  	_ =	shalt  }
0x3f: {  	_ =	shalt  }
0x40: {  	_ =	shalt  }
0x41: {  	_ =	shalt  }
0x42: {  	_ =	shalt  }
0x43: {  	_ =	shalt  }
0x44: {  	_ =	shalt  }
0x45: {  	_ =	shalt  }
0x46: {  	_ =	shalt  }
0x47: {  	_ =	shalt  }
0x48: {  	_ =	shalt  }
0x49: {  	_ =	shalt  }
0x4a: {  	_ =	shalt  }
0x4b: {  	_ =	shalt  }
0x4c: {  	_ =	shalt  }
0x4d: {  	_ =	shalt  }
0x4e: {  	_ =	shalt  }
0x4f: {  	_ =	shalt  }
0x50: {  	_ =	shalt  }
0x51: {  	_ =	shalt  }
0x52: {  	_ =	shalt  }
0x53: {  	_ =	shalt  }
0x54: {  	_ =	shalt  }
0x55: {  	_ =	shalt  }
0x56: {  	_ =	shalt  }
0x57: {  	_ =	shalt  }
0x58: {  	_ =	shalt  }
0x59: {  	_ =	shalt  }
0x5a: {  	_ =	shalt  }
0x5b: {  	_ =	shalt  }
0x5c: {  	_ =	shalt  }
0x5d: {  	_ =	shalt  }
0x5e: {  	_ =	shalt  }
0x5f: {  	_ =	shalt  }
0x60: {  	_ =	shalt  }
0x61: {  	_ =	shalt  }
0x62: {  	_ =	shalt  }
0x63: {  	_ =	shalt  }
0x64: {  	_ =	shalt  }
0x65: {  	_ =	shalt  }
0x66: {  	_ =	shalt  }
0x67: {  	_ =	shalt  }
0x68: {  	_ =	shalt  }
0x69: {  	_ =	shalt  }
0x6a: {  	_ =	shalt  }
0x6b: {  	_ =	shalt  }
0x6c: {  	_ =	shalt  }
0x6d: {  	_ =	shalt  }
0x6e: {  	_ =	shalt  }
0x6f: {  	_ =	shalt  }
0x70: {  	_ =	shalt  }
0x71: {  	_ =	shalt  }
0x72: {  	_ =	shalt  }
0x73: {  	_ =	shalt  }
0x74: {  	_ =	shalt  }
0x75: {  	_ =	shalt  }
0x76: {  	_ =	shalt  }
0x77: {  	_ =	shalt  }
0x78: {  	_ =	shalt  }
0x79: {  	_ =	shalt  }
0x7a: {  	_ =	shalt  }
0x7b: {  	_ =	shalt  }
0x7c: {  	_ =	shalt  }
0x7d: {  	_ =	shalt  }
0x7e: {  	_ =	shalt  }
0x7f: {  	_ =	shalt  }
0x80: {  	_ =	shalt  }
0x81: {  	_ =	shalt  }
0x82: {  	_ =	shalt  }
0x83: {  	_ =	shalt  }
0x84: {  	_ =	shalt  }
0x85: {  	_ =	shalt  }
0x86: {  	_ =	shalt  }
0x87: {  	_ =	shalt  }
.Lfunc_end0:
.L_simem_size_0:
called_computation.1_lowered:
.L_overlay_start_0:
0x88: {  	s2 =	sld [smem:$0x3FD9]  }
0x89: {  	s3 =	sld [smem:$0x3FFE];
	_ =	sdelay $0x1  }
0x8a: {  	s1 =	srdreg.scid  }
0x8b: {  	s0 =	sand.u32 $0x1, s1  }
0x8c: {  	s17 =	sshll.u32 s0, $0xA;
	s2 =	sadd.s32 s3, s2  }
0x8d: {  	s2 =	sadd.s32 s2, s17  }
0x8e: {  	[smem:$0x3FC6] =	sst s2  }
0x8f: {  	_ = 	snop  }
0x90: {  	s2 =	sld [smem:$0x3FC9]  }
0x91: {  	s18 =	sld [smem:$0x3FD0];
	(tm) =	ssettm $0x1  }
0x92: {  	s4 =	sld [smem:$0x3FFB];
	_ =	sdelay $0x3  }
0x93: {  	_ =	strace s4  }
0x94: {  	s4 =	sld [smem:$0x3FFC];
	_ =	sdelay $0x3  }
0x95: {  	_ =	strace s4  }
0x96: {  	s4 =	sld [smem:$0x3FFD];
	_ =	sdelay $0x3  }
0x97: {  	_ =	strace s4  }
0x98: {  	_ =	strace $0x8FFFFFFF  }
0x99: {  	s19 =	sld [smem:$0x3FDB];
	_ =	sdelay $0x1  }
0x9a: {  	s5 =	simm.s32 $_scs_section_size  }
0x9b: {  	s6 =	simm.s32 $_size__tile_overlayer_lowered;
	s7 =	simm.s32 $_tile_overlayer_lowered  }
0x9c: {  	s22 =	simm.s32 $0x1BFF;
	s21 =	sshll.u32 s7, $0x1;
	s4 =	sadd.s32 s5, s19  }
0x9d: {  	s8 =	simm.s32 $0x0;
	s20 =	sshll.u32 s6, $0x1;
	s6 =	sadd.s32 s21, s4  }
0x9e: {  	[timem:s8], [sflag:s22] =	dma.local [hbm:s6], s20  }
0x9f: {  	_ =	swait.ge [sflag:s22], s20  }
0xa0: {  	s5 =	ssub.s32 $0x0, s20;
	[sflag:s22] =	ssyncset.done $0x0  }
0xa1: {  	[sflag:s22] =	ssyncadd.s32 s5;
	_ =	sdelay $0x1  }
0xa2: {  	s23 =	simm.s32 $0x1B8B  }
0xa3: {  	_ =	swait.ge [sflag:s23], $0x1  }
0xa4: {  	[sflag:s23] =	ssyncset.done $0x0  }
0xa5: {  	s25 =	simm.s32 $0x1B8E;
	s24 =	sld [smem:$0x3FFE];
	[sflag:s23] =	ssyncadd.s32 $0xFFFFFFFF  }
0xa6: {  	s26 =	simm.s32 $execute0_lowered;
	[smem:$0x3FD2] =	sst s25  }
0xa7: {  	s6 =	sshll.u32 s26, $0x1;
	_ =	strace $0x80000046;
	[dreg:$0x1] =	wrdreg $0xFFFFFFFF  }
0xa8: {  	s28 =	simm.s32 $_size_execute0_lowered;
	s4 =	sadd.s32 s4, s6;
	[dreg:$0x0] =	wrdreg $0x0  }
0xa9: {  	s6 =	sshll.u32 s28, $0x1;
	[dreg:$0x2] =	wrdreg s4  }
0xaa: {  	[dreg:$0x3] =	wrdreg s6  }
0xab: {  	[dreg:$0x4] =	wrdreg $0xC0  }
0xac: {  	_ =	task [dreg:s8], $0x5FFFF  }
0xad: {  	[dreg:$0x1] =	wrdreg $0xFFFFFFFF  }
0xae: {  	[dreg:$0x0] =	wrdreg $0x60  }
0xaf: {  	[dreg:$0x2] =	wrdreg s2  }
0xb0: {  	[dreg:$0x3] =	wrdreg s24  }
0xb1: {  	[dreg:$0x4] =	wrdreg s18  }
0xb2: {  	[dreg:$0x5] =	wrdreg $0x9  }
0xb3: {  	_ =	task.clear_ibuf [dreg:s8], $0x6FFFF;
	_ =	strace $0x90000046  }
0xb4: {  	s29 =	simm.s32 $0x9;
	_ =	strace $0x80000048  }
0xb5: {  	_ =	swait.ge [sflag:s29], $0x1  }
0xb6: {  	[sflag:s29] =	ssyncadd.s32 $0xFFFFFFFF  }
0xb7: {  	_ =	strace $0x90000048  }
0xb8: {  	_ =	sfence  }
0xb9: {  	s30 =	sld [smem:$0x0];
	_ =	sdelay $0x2  }
0xba: {  	s31 =	sshll.u32 s1, $0xD;
	s1 =	sshrl.u32 s1, $0x2  }
0xbb: {  	s3 =	sand.u32 $0x4000, s31;
	s1 =	sadd.s32 s1, s30  }
0xbc: {  	s0 =	sor.u32 s3, s0;
	s1 =	sshll.u32 s1, $0x11  }
0xbd: {  	s0 =	sor.u32 s1, s0  }
0xbe: {  	s0 =	sadd.s32 $0x8F2B, s0  }
0xbf: {  	[sflag:s0] =	ssyncadd.remote.s32 $0x1  }
0xc0: {  	_ =	sfence.sel $0xFFFF  }
0xc1: {  	[dreg:$0x0] =	wrdreg $0xFFFFFFFF;
	(pc) =	sbr.abs _section_cstart, $3  }
0xc2: {  	[dreg:$0x1] =	wrdreg $0xFFFFFFFF  }
0xc3: {  	_ =	task.clear_ibuf [dreg:s8], $0x2FFFF;
	_ =	strace $0x9FFFFFFF  }
0xc4: {  	(tm) =	ssettm $0x7FFFFFFF  }
0xc5: {  	_ =	shalt  }
tec
execute0_lowered:
.L_overlay_start_1:
0x0: {  	(tag) =	ssettag $0x1  }
0x1: {  	s5 =	rddreg [dreg:$0x0]  }
0x2: {  	s4 =	rddreg [dreg:$0x1];
	s1 =	srdreg.scid  }
0x3: {  	s0 =	stileid.u32;
	s2 =	rddreg [dreg:$0x2];
	s11 =	simm.s32 $0x6400  }
0x4: {  	s12 =	simm.s32 $0x8400;
	s13 =	simm.s32 $0x100;
	s14 =	simm.s32 $0xA400  }
0x5: {  	s15 =	simm.s32 $0x180;
	s16 =	simm.s32 $0xC400;
	s17 =	simm.s32 $0x1  }
0x6: {  	s18 =	simm.s32 $0x12400;
	s19 =	simm.s32 $0x14400;
	s20 =	simm.s32 $0x2  }
0x7: {  	s21 =	simm.s32 $0xE400;
	s22 =	simm.s32 $0x3;
	s23 =	simm.s32 $0x4  }
0x8: {  	s24 =	simm.s32 $0x0;
	s6 =	sand.u32 $0x1, s1;
	s3 =	sshll.u32 s0, $0x1  }
0x9: {  	s1 =	rddreg [dreg:$0x3];
	s4 =	sadd.s32 $0xF42C00, s4;
	s7 =	sor.u32 s6, s3  }
0xa: {  	s3 =	simm.s32 $0x0;
	s6 =	ssub.s32 $0x2, s6;
	s8 =	smul.u32 $0xC80, s7  }
0xb: {  	[smem:$0x7FF] =	sst s3;
	s9 =	sshrl.u32 s6, $0x1;
	s10 =	smul.u32 $0x32000, s7  }
0xc: {  	_ =	strace $0x80000047;
	s9 =	ssub.s32 s6, s9;
	s6 =	smul.u32 $0x190000, s7  }
0xd: {  	s5 =	sadd.s32 s5, s8;
	s31 =	sadd.s32 s10, s2;
	s7 =	smax.u32 s9, $0x1  }
0xe: {  	s9 =	simm.s32 $0x5;
	s10 =	simm.s32 $0x80;
	s8 =	sadd.s32 $0x1000, s31  }
.LBB2_1:
0xf: {  	[tilespmem:s3], [sflag:$0x5] =	stream.linear.gather [hbm4b:s5+s3], $0x6400, $0x38;
	[tilespmem:$0x16400] =	vst v63  }
0x10: {  	_ =	swait.ge [sflag:s9], $0x6400  }
0x11: {  	[sflag:s9] =	ssyncset.done $0x0  }
0x12: {  	[sflag:s9] =	ssyncadd.s32 $0xFFFF9C00  }
0x13: {  	[tilespmem:s11], [sflag:$0x1] =	stream.indirect.gather [hbm4b:s4+s10], $0x40, s3, s10, $0xb8;
	[tilespmem:$0x16400] =	vst v63  }
0x14: {  	_ = 	snop  }
0x15: {  	[tilespmem:s12], [sflag:$0x1] =	stream.indirect.gather [hbm4b:s4+s10], $0x40, s10, s10, $0xb8;
	[tilespmem:$0x16400] =	vst v63  }
0x16: {  	_ = 	snop  }
0x17: {  	[tilespmem:s14], [sflag:$0x1] =	stream.indirect.gather [hbm4b:s4+s10], $0x40, s13, s10, $0xb8;
	[tilespmem:$0x16400] =	vst v63  }
0x18: {  	s25 =	simm.s32 $0x0  }
0x19: {  	[tilespmem:s16], [sflag:$0x1] =	stream.indirect.gather [hbm4b:s4+s10], $0x40, s15, s10, $0xb8;
	[tilespmem:$0x16400] =	vst v63  }
.LBB2_2:
0x1a: {  	_ =	swait.ge [sflag:s17], $0x2000  }
0x1b: {  	[sflag:s17] =	ssyncset.done $0x0  }
0x1c: {  	[sflag:s17] =	ssyncadd.s32 $0xFFFFE000  }
0x1d: {  	_ =	swait.ge [sflag:s17], $0x2000  }
0x1e: {  	[sflag:s17] =	ssyncset.done $0x0  }
0x1f: {  	[sflag:s17] =	ssyncadd.s32 $0xFFFFE000  }
0x20: {  	_ =	swait.ge [sflag:s17], $0x2000  }
0x21: {  	[sflag:s17] =	ssyncset.done $0x0  }
0x22: {  	[sflag:s17] =	ssyncadd.s32 $0xFFFFE000  }
0x23: {  	p0 =	seq.s32 s25, $0x0;
	_ =	swait.ge [sflag:s17], $0x2000  }
0x24: {  	s26 =	simm.s32 @p0 $0x80;
	[sflag:s17] =	ssyncset.done $0x0  }
0x25: {  	s28 =	simm.s32 @p0 $0x200;
	s29 =	simm.s32 @p0 $0xE400;
	[sflag:s17] =	ssyncadd.s32 $0xFFFFE000  }
0x26: {  	[tilespmem:s29], [sflag:$0x2] =	stream.indirect.gather @p0 [hbm4b:s4+s26], $0x40, s28, s26, $0xb8;
	[tilespmem:$0x16400] =	vst v63  }
0x27: {  	s28 =	simm.s32 @p0 $0x280;
	s29 =	simm.s32 @p0 $0x10400  }
0x28: {  	[tilespmem:s29], [sflag:$0x2] =	stream.indirect.gather @p0 [hbm4b:s4+s26], $0x40, s28, s26, $0xb8;
	[tilespmem:$0x16400] =	vst v63  }
0x29: {  	s26 =	simm.s32 @!p0 $0x4  }
0x2a: {  	_ =	swait.ge @!p0 [sflag:s26], $0x8000  }
0x2b: {  	s28 =	sshll.u32 @!p0 s25, $0xA;
	[sflag:s26] =	ssyncset.done @!p0 $0x0  }
0x2c: {  	[sflag:s26] =	ssyncadd.s32 @!p0 $0xFFFF8000;
	s26 =	sand.u32 @!p0 $0x3FFFFC00, s28  }
0x2d: {  	s30 =	simm.s32 @!p0 $0xE400;
	s29 =	simm.s32 @!p0 $0x80;
	s28 =	sor.u32 @!p0 $0x200, s26  }
0x2e: {  	[tilespmem:s30], [sflag:$0x2] =	stream.indirect.gather @!p0 [hbm4b:s4+s29], $0x40, s28, s29, $0xb8;
	[tilespmem:$0x16400] =	vst v63  }
0x2f: {  	s28 =	sor.u32 @!p0 $0x280, s26;
	s30 =	simm.s32 @!p0 $0x10400;
	s26 =	simm.s32 @p0 $0x0  }
0x30: {  	[tilespmem:s30], [sflag:$0x2] =	stream.indirect.gather @!p0 [hbm4b:s4+s29], $0x40, s28, s29, $0xb8;
	[tilespmem:$0x16400] =	vst v63  }
0x31: {  	s28 =	sadd.s32 $0x300, s26  }
0x32: {  	[tilespmem:s18], [sflag:$0x2] =	stream.indirect.gather [hbm4b:s4+s10], $0x40, s28, s10, $0xb8;
	[tilespmem:$0x16400] =	vst v63  }
0x33: {  	s26 =	sadd.s32 $0x380, s26  }
0x34: {  	[tilespmem:s19], [sflag:$0x2] =	stream.indirect.gather [hbm4b:s4+s10], $0x40, s26, s10, $0xb8;
	[tilespmem:$0x16400] =	vst v63  }
0x35: {  	s26 =	simm.s32 $0x6440  }
0x36: {  	v1 =	vld [tilespmem:s26+$0xFFFFFFC0];
	_ =	sdelay $0x1  }
0x37: {  	v4 =	vld [tilespmem:s26+$0xFFFFFFD0]  }
0x38: {  	v6 =	vld [tilespmem:s26+$0xFFFFFFE0]  }
0x39: {  	v2 =	vld [tilespmem:s26+$0x0]  }
0x3a: {  	v0 =	vld [tilespmem:s26+$0x10];
	v5 =	vmul.f32 $8.000000000e+00, v1  }
0x3b: {  	v3 =	vld [tilespmem:s26+$0x20]  }
0x3c: {  	v1 =	vld [tilespmem:s26+$0x30];
	[tilespmem:s26+$0xFFFFFFC0] =	vst v5;
	v5 =	vmul.f32 $8.000000000e+00, v4  }
0x3d: {  	s29 =	simm.s32 $0x64C0;
	s28 =	simm.s32 $0x0;
	v6 =	vmul.f32 $8.000000000e+00, v6;
	v4 =	vld [tilespmem:s26+$0xFFFFFFF0]  }
.LBB2_3:
0x3e: {  	v7 =	vld [tilespmem:s29+$0xFFFFFFC0];
	[tilespmem:s26+$0xFFFFFFD0] =	vst v5;
	v2 =	vmul.f32 $8.000000000e+00, v2  }
0x3f: {  	s28 =	sadd.s32 $0x2, s28;
	v5 =	vld [tilespmem:s29+$0xFFFFFFD0];
	[tilespmem:s26+$0xFFFFFFE0] =	vst v6;
	v0 =	vmul.f32 $8.000000000e+00, v0  }
0x40: {  	p0 =	slt.u32 s28, $0x1FE;
	v6 =	vld [tilespmem:s29+$0xFFFFFFE0];
	[tilespmem:s26+$0x0] =	vst v2;
	v3 =	vmul.f32 $8.000000000e+00, v3  }
.Ltmp0:
0x41: {  	v2 =	vld [tilespmem:s29+$0x0];
	[tilespmem:s26+$0x10] =	vst v0;
	v1 =	vmul.f32 $8.000000000e+00, v1;
	(pc) =	sbr.rel @p0 .LBB2_3-.Ltmp0, $4  }
0x42: {  	v0 =	vld [tilespmem:s29+$0x10];
	v4 =	vmul.f32 $8.000000000e+00, v4;
	[tilespmem:s26+$0x20] =	vst v3  }
0x43: {  	v7 =	vmul.f32 $8.000000000e+00, v7;
	v3 =	vld [tilespmem:s29+$0x20];
	[tilespmem:s26+$0x30] =	vst v1  }
0x44: {  	v5 =	vmul.f32 $8.000000000e+00, v5;
	v1 =	vld [tilespmem:s29+$0x30];
	[tilespmem:s26+$0xFFFFFFF0] =	vst v4;
	s26 =	smov.u32 s29  }
0x45: {  	s29 =	sadd.s32 $0x80, s29;
	[tilespmem:s26+$0xFFFFFFC0] =	vst v7;
	v6 =	vmul.f32 $8.000000000e+00, v6;
	v4 =	vld [tilespmem:s26+$0xFFFFFFF0]  }
0x46: {  	[tilespmem:s26+$0xFFFFFFD0] =	vst v5;
	v2 =	vmul.f32 $8.000000000e+00, v2  }
0x47: {  	[tilespmem:s26+$0xFFFFFFE0] =	vst v6;
	v0 =	vmul.f32 $8.000000000e+00, v0  }
0x48: {  	[tilespmem:s26+$0x0] =	vst v2;
	v2 =	vmul.f32 $8.000000000e+00, v3  }
0x49: {  	s28 =	sshll.u32 s25, $0x10;
	[tilespmem:s26+$0x10] =	vst v0;
	v0 =	vmul.f32 $8.000000000e+00, v1  }
0x4a: {  	s28 =	sadd.s32 s6, s28;
	v1 =	vmul.f32 $8.000000000e+00, v4;
	[tilespmem:s26+$0x20] =	vst v2  }
0x4b: {  	s28 =	sshrl.u32 s28, $0x3;
	[tilespmem:s26+$0x30] =	vst v0  }
0x4c: {  	s31 =	sadd.s32 s2, s28;
	[tilespmem:s26+$0xFFFFFFF0] =	vst v1  }
0x4d: {  	[hbm4b:s31+s3] =	stream.linear.scatter [tilespmem:s11], [sflag:$0x3], $0x8000, $0x38;
	[tilespmem:$0x16400] =	vst v63  }
0x4e: {  	_ =	swait.ge [sflag:s20], $0x2000  }
0x4f: {  	[sflag:s20] =	ssyncset.done $0x0  }
0x50: {  	[sflag:s20] =	ssyncadd.s32 $0xFFFFE000  }
0x51: {  	_ =	swait.ge [sflag:s20], $0x2000  }
0x52: {  	[sflag:s20] =	ssyncset.done $0x0  }
0x53: {  	[sflag:s20] =	ssyncadd.s32 $0xFFFFE000  }
0x54: {  	_ =	swait.ge [sflag:s20], $0x2000  }
0x55: {  	[sflag:s20] =	ssyncset.done $0x0  }
0x56: {  	[sflag:s20] =	ssyncadd.s32 $0xFFFFE000  }
0x57: {  	_ =	swait.ge [sflag:s20], $0x2000  }
0x58: {  	p0 =	seq.s32 s25, $0x18;
	[sflag:s20] =	ssyncset.done $0x0  }
0x59: {  	s26 =	simm.s32 @!p0 $0x3;
	[sflag:s20] =	ssyncadd.s32 $0xFFFFE000  }
0x5a: {  	_ =	swait.ge @!p0 [sflag:s26], $0x8000  }
0x5b: {  	s28 =	sshll.u32 @!p0 s25, $0xA;
	[sflag:s26] =	ssyncset.done @!p0 $0x0  }
0x5c: {  	[sflag:s26] =	ssyncadd.s32 @!p0 $0xFFFF8000;
	s26 =	sand.u32 @!p0 $0x3FFFFC00, s28  }
0x5d: {  	s29 =	simm.s32 @!p0 $0x80;
	s30 =	simm.s32 @!p0 $0x6400;
	s28 =	sadd.s32 @!p0 $0x400, s26  }
0x5e: {  	[tilespmem:s30], [sflag:$0x1] =	stream.indirect.gather @!p0 [hbm4b:s4+s29], $0x40, s28, s29, $0xb8;
	[tilespmem:$0x16400] =	vst v63  }
0x5f: {  	s28 =	sadd.s32 @!p0 $0x480, s26;
	s30 =	simm.s32 @!p0 $0x8400  }
0x60: {  	[tilespmem:s30], [sflag:$0x1] =	stream.indirect.gather @!p0 [hbm4b:s4+s29], $0x40, s28, s29, $0xb8;
	[tilespmem:$0x16400] =	vst v63  }
0x61: {  	s28 =	sadd.s32 @!p0 $0x500, s26;
	s30 =	simm.s32 @!p0 $0xA400  }
0x62: {  	[tilespmem:s30], [sflag:$0x1] =	stream.indirect.gather @!p0 [hbm4b:s4+s29], $0x40, s28, s29, $0xb8;
	[tilespmem:$0x16400] =	vst v63  }
0x63: {  	s26 =	sadd.s32 @!p0 $0x580, s26;
	s28 =	simm.s32 @!p0 $0xC400  }
0x64: {  	[tilespmem:s28], [sflag:$0x1] =	stream.indirect.gather @!p0 [hbm4b:s4+s29], $0x40, s26, s29, $0xb8;
	[tilespmem:$0x16400] =	vst v63  }
0x65: {  	s26 =	simm.s32 $0xE440  }
0x66: {  	v1 =	vld [tilespmem:s26+$0xFFFFFFC0];
	_ =	sdelay $0x1  }
0x67: {  	v4 =	vld [tilespmem:s26+$0xFFFFFFD0]  }
0x68: {  	v6 =	vld [tilespmem:s26+$0xFFFFFFE0]  }
0x69: {  	v2 =	vld [tilespmem:s26+$0x0]  }
0x6a: {  	v0 =	vld [tilespmem:s26+$0x10];
	v5 =	vmul.f32 $8.000000000e+00, v1  }
0x6b: {  	v3 =	vld [tilespmem:s26+$0x20]  }
0x6c: {  	v1 =	vld [tilespmem:s26+$0x30];
	[tilespmem:s26+$0xFFFFFFC0] =	vst v5;
	v5 =	vmul.f32 $8.000000000e+00, v4  }
0x6d: {  	s28 =	simm.s32 $0x0;
	s29 =	simm.s32 $0xE4C0;
	v6 =	vmul.f32 $8.000000000e+00, v6;
	v4 =	vld [tilespmem:s26+$0xFFFFFFF0]  }
.LBB2_5:
0x6e: {  	v7 =	vld [tilespmem:s29+$0xFFFFFFC0];
	[tilespmem:s26+$0xFFFFFFD0] =	vst v5;
	v2 =	vmul.f32 $8.000000000e+00, v2  }
0x6f: {  	s28 =	sadd.s32 $0x2, s28;
	v5 =	vld [tilespmem:s29+$0xFFFFFFD0];
	[tilespmem:s26+$0xFFFFFFE0] =	vst v6;
	v0 =	vmul.f32 $8.000000000e+00, v0  }
0x70: {  	p0 =	slt.u32 s28, $0x1FE;
	v6 =	vld [tilespmem:s29+$0xFFFFFFE0];
	[tilespmem:s26+$0x0] =	vst v2;
	v3 =	vmul.f32 $8.000000000e+00, v3  }
.Ltmp1:
0x71: {  	v2 =	vld [tilespmem:s29+$0x0];
	[tilespmem:s26+$0x10] =	vst v0;
	v1 =	vmul.f32 $8.000000000e+00, v1;
	(pc) =	sbr.rel @p0 .LBB2_5-.Ltmp1, $4  }
0x72: {  	v0 =	vld [tilespmem:s29+$0x10];
	v4 =	vmul.f32 $8.000000000e+00, v4;
	[tilespmem:s26+$0x20] =	vst v3  }
0x73: {  	v7 =	vmul.f32 $8.000000000e+00, v7;
	v3 =	vld [tilespmem:s29+$0x20];
	[tilespmem:s26+$0x30] =	vst v1  }
0x74: {  	v5 =	vmul.f32 $8.000000000e+00, v5;
	v1 =	vld [tilespmem:s29+$0x30];
	[tilespmem:s26+$0xFFFFFFF0] =	vst v4;
	s26 =	smov.u32 s29  }
0x75: {  	s29 =	sadd.s32 $0x80, s29;
	[tilespmem:s26+$0xFFFFFFC0] =	vst v7;
	v6 =	vmul.f32 $8.000000000e+00, v6;
	v4 =	vld [tilespmem:s26+$0xFFFFFFF0]  }
0x76: {  	[tilespmem:s26+$0xFFFFFFD0] =	vst v5;
	v2 =	vmul.f32 $8.000000000e+00, v2  }
0x77: {  	s28 =	sshll.u32 s25, $0xD;
	s25 =	sadd.s32 $0x1, s25;
	[tilespmem:s26+$0xFFFFFFE0] =	vst v6;
	v0 =	vmul.f32 $8.000000000e+00, v0  }
0x78: {  	p0 =	sne.s32 s25, $0x19;
	[tilespmem:s26+$0x0] =	vst v2;
	v61 =	vmul.f32 $8.000000000e+00, v3  }
.Ltmp2:
0x79: {  	[tilespmem:s26+$0x10] =	vst v0;
	v62 =	vmul.f32 $8.000000000e+00, v1;
	(pc) =	sbr.rel @p0 .LBB2_2-.Ltmp2, $4  }
0x7a: {  	v63 =	vmul.f32 $8.000000000e+00, v4;
	[tilespmem:s26+$0x20] =	vst v61  }
0x7b: {  	[tilespmem:s26+$0x30] =	vst v62  }
0x7c: {  	s31 =	sadd.s32 s8, s28;
	[tilespmem:s26+$0xFFFFFFF0] =	vst v63  }
0x7d: {  	[hbm4b:s31+s3] =	stream.linear.scatter [tilespmem:s21], [sflag:$0x4], $0x8000, $0x38;
	[tilespmem:$0x16400] =	vst v63  }
0x7e: {  	s24 =	sadd.s32 $0x1, s24  }
0x7f: {  	_ =	swait.ge [sflag:s22], $0x8000;
	p0 =	sne.s32 s24, s7  }
.Ltmp3:
0x80: {  	[sflag:s22] =	ssyncset.done $0x0;
	(pc) =	sbr.rel @p0 .LBB2_1-.Ltmp3, $4  }
0x81: {  	[sflag:s22] =	ssyncadd.s32 $0xFFFF8000  }
0x82: {  	_ =	swait.ge [sflag:s23], $0x8000  }
0x83: {  	[sflag:s23] =	ssyncset.done $0x0  }
0x84: {  	[sflag:s23] =	ssyncadd.s32 $0xFFFF8000  }
0x85: {  	_ =	sfence.sel $0x180000  }
0x86: {  	[bflag:$0x0] =	sbarrier.arrive $0xFFFF  }
0x87: {  	p0 =	sne.s32 s0, $0x0;
	_ =	strace $0x90000047  }
0x88: {  	s0 =	sadd.s32 @!p0 $0x100000, s1;
	[bflag:$0x2] =	sbarrier.arrive $0xFFFF  }
0x89: {  	[sflag:s0] =	ssyncadd.tile.s32 @!p0 $0x1;
	_ =	shalt  }
.Lfunc_end2:
_tile_overlayer_lowered:
.L_overlay_start_2:
0x8a: {  	(tag) =	ssettag $0x2  }
0x8b: {  	s0 =	rddreg [dreg:$0x0];
	s2 =	stileid.u32  }
0x8c: {  	s1 =	rddreg [dreg:$0x1];
	p0 =	sne.s32 s2, $0x0  }
0x8d: {  	s3 =	rddreg [dreg:$0x2];
	[bflag:$0x3] =	sbarrier.arrive $0xFFFF;
	s2 =	simm.s32 @!p0 $0x1C05  }
0x8e: {  	[timem:s3], [sflag:s2] =	dma.local @!p0 [hbm:s0], s1  }
0x8f: {  	s0 =	simm.s32 @!p0 $0x5  }
0x90: {  	_ =	swait.ge @!p0 [sflag:s0], s1  }
0x91: {  	s1 =	ssub.s32 @!p0 $0x0, s1;
	[sflag:s0] =	ssyncset.done @!p0 $0x0  }
0x92: {  	[sflag:s0] =	ssyncadd.s32 @!p0 s1  }
0x93: {  	[bflag:$0x3] =	sbarrier.arrive $0xFFFF  }
0x94: {  	_ =	shalt  }

// kernel: sparse-core-data-format-call.cloned.1.call-start
scs
called_computation_lowered:
.L_overlay_start_0:
0x0: {  	s2 =	sld [smem:$0x3FD9]  }
0x1: {  	s3 =	sld [smem:$0x3FFE];
	_ =	sdelay $0x1  }
0x2: {  	s1 =	srdreg.scid  }
0x3: {  	s0 =	sand.u32 $0x1, s1  }
0x4: {  	s18 =	sshll.u32 s0, $0xA;
	s2 =	sadd.s32 s3, s2  }
0x5: {  	s2 =	sadd.s32 s2, s18  }
0x6: {  	[smem:$0x3FC6] =	sst s2  }
0x7: {  	_ = 	snop  }
0x8: {  	s2 =	sld [smem:$0x3FD0];
	(tm) =	ssettm $0x1  }
0x9: {  	s19 =	sld [smem:$0x3FFB];
	_ =	sdelay $0x3  }
0xa: {  	_ =	strace s19  }
0xb: {  	s3 =	sld [smem:$0x3FFC];
	_ =	sdelay $0x3  }
0xc: {  	_ =	strace s3  }
0xd: {  	s3 =	sld [smem:$0x3FFD];
	_ =	sdelay $0x3  }
0xe: {  	_ =	strace s3  }
0xf: {  	_ =	strace $0x8FFFFFFF  }
0x10: {  	s20 =	sld [smem:$0x3FDB];
	_ =	sdelay $0x1  }
0x11: {  	s4 =	simm.s32 $_scs_section_size  }
0x12: {  	s5 =	simm.s32 $_size__tile_overlayer_lowered;
	s6 =	simm.s32 $_tile_overlayer_lowered  }
0x13: {  	s23 =	simm.s32 $0x1BFF;
	s22 =	sshll.u32 s6, $0x1;
	s3 =	sadd.s32 s4, s20  }
0x14: {  	s7 =	simm.s32 $0x0;
	s21 =	sshll.u32 s5, $0x1;
	s5 =	sadd.s32 s22, s3  }
0x15: {  	[timem:s7], [sflag:s23] =	dma.local [hbm:s5], s21  }
0x16: {  	_ =	swait.ge [sflag:s23], s21  }
0x17: {  	s4 =	ssub.s32 $0x0, s21;
	[sflag:s23] =	ssyncset.done $0x0  }
0x18: {  	[sflag:s23] =	ssyncadd.s32 s4;
	_ =	sdelay $0x1  }
0x19: {  	s24 =	simm.s32 $0x1B8B  }
0x1a: {  	_ =	swait.ge [sflag:s24], $0x1  }
0x1b: {  	[sflag:s24] =	ssyncset.done $0x0  }
0x1c: {  	s26 =	simm.s32 $0x1B8E;
	s25 =	sld [smem:$0x3FFE];
	[sflag:s24] =	ssyncadd.s32 $0xFFFFFFFF  }
0x1d: {  	s27 =	simm.s32 $execute0_lowered;
	[smem:$0x3FD2] =	sst s26  }
0x1e: {  	s5 =	sshll.u32 s27, $0x1;
	_ =	strace $0x80000049;
	[dreg:$0x1] =	wrdreg $0xFFFFFFFF  }
0x1f: {  	s28 =	simm.s32 $_size_execute0_lowered;
	s3 =	sadd.s32 s3, s5;
	[dreg:$0x0] =	wrdreg $0x0  }
0x20: {  	s5 =	sshll.u32 s28, $0x1;
	[dreg:$0x2] =	wrdreg s3  }
0x21: {  	[dreg:$0x3] =	wrdreg s5  }
0x22: {  	[dreg:$0x4] =	wrdreg $0xC0  }
0x23: {  	_ =	task [dreg:s7], $0x5FFFF  }
0x24: {  	[dreg:$0x1] =	wrdreg $0xFFFFFFFF  }
0x25: {  	[dreg:$0x0] =	wrdreg $0x60  }
0x26: {  	[dreg:$0x2] =	wrdreg s25  }
0x27: {  	[dreg:$0x3] =	wrdreg s2  }
0x28: {  	[dreg:$0x4] =	wrdreg $0x9  }
0x29: {  	_ =	task.clear_ibuf [dreg:s7], $0x5FFFF;
	_ =	strace $0x90000049  }
0x2a: {  	s29 =	simm.s32 $0x9;
	_ =	strace $0x8000004B  }
0x2b: {  	_ =	swait.ge [sflag:s29], $0x1  }
0x2c: {  	[sflag:s29] =	ssyncadd.s32 $0xFFFFFFFF  }
0x2d: {  	_ =	strace $0x9000004B  }
0x2e: {  	_ =	sfence  }
0x2f: {  	s30 =	sld [smem:$0x0];
	_ =	sdelay $0x2  }
0x30: {  	s31 =	sshll.u32 s1, $0xD;
	s1 =	sshrl.u32 s1, $0x2  }
0x31: {  	s3 =	sand.u32 $0x4000, s31;
	s1 =	sadd.s32 s1, s30  }
0x32: {  	s0 =	sor.u32 s3, s0;
	s1 =	sshll.u32 s1, $0x11  }
0x33: {  	s0 =	sor.u32 s1, s0  }
0x34: {  	s0 =	sadd.s32 $0x8F2B, s0  }
0x35: {  	[sflag:s0] =	ssyncadd.remote.s32 $0x1  }
0x36: {  	_ =	sfence.sel $0xFFFF  }
0x37: {  	[dreg:$0x0] =	wrdreg $0xFFFFFFFF;
	(pc) =	sbr.abs _section_cstart, $3  }
0x38: {  	[dreg:$0x1] =	wrdreg $0xFFFFFFFF  }
0x39: {  	_ =	task.clear_ibuf [dreg:s7], $0x2FFFF;
	_ =	strace $0x9FFFFFFF  }
0x3a: {  	(tm) =	ssettm $0x7FFFFFFF  }
0x3b: {  	_ =	shalt  }
tec
execute0_lowered:
.L_overlay_start_1:
0x0: {  	(tag) =	ssettag $0x1  }
0x1: {  	s0 =	srdreg.scid  }
0x2: {  	s1 =	sshll.u32 s0, $0x4  }
0x3: {  	s4 =	rddreg [dreg:$0x0];
	s0 =	stileid.u32;
	s1 =	sand.u32 $0x10, s1  }
0x4: {  	s2 =	rddreg [dreg:$0x1];
	s7 =	simm.s32 $0x1;
	s1 =	sor.u32 s0, s1  }
0x5: {  	s8 =	simm.s32 $0x2;
	s11 =	simm.s32 $0x0;
	s3 =	sshll.u32 s1, $0x7  }
0x6: {  	s10 =	simm.s32 $0x0;
	s4 =	sadd.s32 $0x800, s4;
	s6 =	ssub.s32 $0xC8000, s3  }
.Ltmp0:
0x7: {  	s1 =	rddreg [dreg:$0x2];
	s5 =	sand.u32 $0xF80, s6;
	(pc) =	sbr.rel .LBB1_1-.Ltmp0, $4  }
0x8: {  	_ =	strace $0x8000004A;
	s9 =	smov.u32 s3;
	p0 =	sne.s32 s5, $0x0  }
0x9: {  	s6 =	sshrl.u32 s6, $0xC;
	s5 =	simm.s32 $0x1;
	s7 =	simm.s32 @!p0 $0x0  }
0xa: {  	[sflag:s5] =	ssyncpa.u1 $0x0;
	p0 =	por $0x0, $0x0;
	s6 =	sadd.s32 s7, s6  }
0xb: {  	[sflag:s8] =	ssyncpa.u1 $0x0;
	s8 =	simm.s32 $0x640000;
	s7 =	sadd.s32 $0x1, s6  }
.LBB1_4:
0xc: {  	s14 =	sshll.u32 s11, $0x3  }
0xd: {  	s30 =	sand.u32 $0x7F, s11;
	s15 =	sand.u32 $0xFFFFFC00, s14  }
0xe: {  	s11 =	sor.u32 s30, s15  }
0xf: {  	s15 =	smulhi.u32 $0x51EB851F, s11  }
0x10: {  	s14 =	smulhi.u32 $0x51EB851F, s14  }
0x11: {  	s15 =	sshrl.u32 s15, $0x12  }
0x12: {  	s14 =	sshrl.u32 s14, $0x12;
	s15 =	smul.u32 $0xC8000, s15  }
0x13: {  	s14 =	sand.u32 $0x3F, s14  }
0x14: {  	s14 =	smul.u32 $0x19000, s14;
	s11 =	ssub.s32 s11, s15  }
0x15: {  	[tilespmem:s13+$0x810 ss:$0x81] =	vst.msk $0xffff, v2;
	s15 =	sand.u32 $0x7, s11  }
0x16: {  	[tilespmem:s13+$0x1020 ss:$0x81] =	vst.msk $0xffff, v0;
	s14 =	sadd.s32 s2, s14;
	s11 =	sshrl.u32 s11, $0x3;
	s15 =	sshll.u32 s15, $0x12  }
0x17: {  	[tilespmem:s13+$0x0 ss:$0x81] =	vst.msk $0xffff, v1;
	s11 =	sadd.s32 s11, s14;
	s31 =	sor.u32 $0x400, s15  }
0x18: {  	[hbm4b:s11+s31] =	stream.strided.scatter [tilespmem:s12], [sflag:$0x2], $0x2000, s8, s31, $0x20;
	[tilespmem:$0x8080] =	vst v63  }
.LBB1_5:
0x19: {  	s13 =	sadd.s32 $0x1000, s9  }
0x1a: {  	p2 =	sgt.s32 s13, $0xC7FFF  }
0x1b: {  	s13 =	smov.u32 @p2 s3;
	p2 =	sne.s32 s10, s7  }
.Ltmp1:
0x1c: {  	p1 =	slt.u32 s10, $0x2;
	(pc) =	sbr.rel @!p2 .LBB1_6-.Ltmp1, $4  }
0x1d: {  	s12 =	simm.s32 @!p1 $0x2  }
0x1e: {  	s14 =	sadd.s32 $0x1, s10;
	_ =	swait.ge @!p1 [sflag:s12], $0x2000  }
0x1f: {  	s11 =	smov.u32 s9;
	p0 =	por !p0, !p0;
	[sflag:s12] =	ssyncset.done @!p1 $0x0  }
0x20: {  	s10 =	smov.u32 s14;
	s9 =	smov.u32 s13;
	[sflag:s12] =	ssyncadd.s32 @!p1 $0xFFFFE000  }
.LBB1_1:
0x21: {  	p1 =	sge.u32 s10, s6  }
0x22: {  	s12 =	sand.u32 @!p1 $0x1FFFFFF, s9  }
0x23: {  	s13 =	smulhi.u32 @!p1 $0x147AE15, s12;
	_ =	sdelay $0x1  }
0x24: {  	s13 =	sshrl.u32 @!p1 s13, $0xC  }
0x25: {  	s13 =	smul.u32 @!p1 $0xC8000, s13;
	_ =	sdelay $0x1  }
0x26: {  	s31 =	sadd.s32 $0xFFFFFFFF, s10;
	s14 =	sxor.u32 @!p1 $0xFFFFFFFF, s10;
	s12 =	ssub.s32 @!p1 s12, s13  }
0x27: {  	s15 =	simm.s32 @!p1 $0x80;
	s14 =	sshll.u32 @!p1 s14, $0xD;
	s12 =	sshll.u32 @!p1 s12, $0x4  }
0x28: {  	s13 =	sand.u32 @!p1 $0x2000, s14;
	s14 =	simm.s32 @!p1 $0x40;
	s12 =	sadd.s32 @!p1 s4, s12  }
0x29: {  	[tilespmem:s13], [sflag:$0x1] =	stream.strided.gather @!p1 [hbm4b:s12+s14], $0x2000, s15, s14, $0x38;
	[tilespmem:$0x8080] =	vst v63  }
0x2a: {  	p1 =	sge.u32 s31, s6  }
.Ltmp2:
0x2b: {  	_ = 	snop;
	(pc) =	sbr.rel @p1 .LBB1_5-.Ltmp2, $1  }
0x2c: {  	_ =	sdelay $0x3  }
0x2d: {  	s12 =	simm.s32 $0x1  }
0x2e: {  	_ =	swait.ge [sflag:s5], $0x2000;
	s12 =	simm.s32 @!p0 $0x0  }
0x2f: {  	[sflag:s5] =	ssyncset.done $0x0;
	s13 =	sshll.u32 s12, $0xD  }
0x30: {  	[sflag:s5] =	ssyncadd.s32 $0xFFFFE000;
	s16 =	sor.u32 $0x20, s13  }
0x31: {  	s12 =	smul.u32 $0x8100, s12;
	v3 =	vld [tilespmem:s16+$0x10]  }
0x32: {  	s30 =	sand.u32 $0x1, s10;
	v2 =	vld [tilespmem:s16+$0xFFFFFFF0]  }
0x33: {  	s13 =	smul.u32 $0x8100, s30;
	s12 =	sshrl.u32 s12, $0x2;
	v0 =	vld [tilespmem:s16+$0x0]  }
0x34: {  	v1 =	vld [tilespmem:s16+$0xFFFFFFE0];
	s14 =	sor.u32 $0x4000, s12  }
0x35: {  	s31 =	sshrl.u32 s13, $0x2;
	s13 =	sadd.s32 $0x0, s14  }
0x36: {  	s15 =	simm.s32 $0x4;
	s16 =	sadd.s32 $0x40, s16;
	s12 =	sor.u32 $0x4000, s31;
	[tilespmem:s13+$0x1830 ss:$0x81] =	vst.msk $0xffff, v3  }
.LBB1_3:
0x37: {  	v3 =	vld [tilespmem:s16+$0x10];
	p1 =	sne.s32 s15, $0x1FC;
	[tilespmem:s13+$0x810 ss:$0x81] =	vst.msk $0xffff, v2;
	s17 =	smov.u32 s15;
	s15 =	sadd.s32 $0x4, s15  }
.Ltmp3:
0x38: {  	v2 =	vld [tilespmem:s16+$0xFFFFFFF0];
	[tilespmem:s13+$0x1020 ss:$0x81] =	vst.msk $0xffff, v0;
	(pc) =	sbr.rel @p1 .LBB1_3-.Ltmp3, $4  }
0x39: {  	v0 =	vld [tilespmem:s16+$0x0];
	[tilespmem:s13+$0x0 ss:$0x81] =	vst.msk $0xffff, v1  }
0x3a: {  	s13 =	sshra.s32 s17, $0x2;
	v1 =	vld [tilespmem:s16+$0xFFFFFFE0]  }
0x3b: {  	s13 =	sadd.s32 s13, s14  }
0x3c: {  	s16 =	sadd.s32 $0x40, s16;
	[tilespmem:s13+$0x1830 ss:$0x81] =	vst.msk $0xffff, v3  }
.Ltmp4:
0x3d: {  	_ = 	snop;
	(pc) =	sbr.rel .LBB1_4-.Ltmp4, $1  }
0x3e: {  	_ =	sdelay $0x3  }
.LBB1_6:
0x3f: {  	_ =	sfence.sel $0x180000  }
0x40: {  	s2 =	simm.s32 $0x1;
	[bflag:$0x0] =	sbarrier.arrive $0xFFFF  }
0x41: {  	s31 =	simm.s32 $0x2;
	[sflag:s2] =	ssyncpa.u1 $0x1  }
0x42: {  	[sflag:s31] =	ssyncpa.u1 $0x1  }
0x43: {  	p0 =	sne.s32 s0, $0x0;
	_ =	strace $0x9000004A  }
0x44: {  	s0 =	sadd.s32 @!p0 $0x100000, s1;
	[bflag:$0x2] =	sbarrier.arrive $0xFFFF  }
0x45: {  	[sflag:s0] =	ssyncadd.tile.s32 @!p0 $0x1;
	_ =	shalt  }
.Lfunc_end1:
_tile_overlayer_lowered:
.L_overlay_start_2:
0x46: {  	(tag) =	ssettag $0x2  }
0x47: {  	s0 =	rddreg [dreg:$0x0];
	s2 =	stileid.u32  }
0x48: {  	s1 =	rddreg [dreg:$0x1];
	p0 =	sne.s32 s2, $0x0  }
0x49: {  	s3 =	rddreg [dreg:$0x2];
	[bflag:$0x3] =	sbarrier.arrive $0xFFFF;
	s2 =	simm.s32 @!p0 $0x1C01  }
0x4a: {  	[timem:s3], [sflag:s2] =	dma.local @!p0 [hbm:s0], s1  }
0x4b: {  	s0 =	simm.s32 @!p0 $0x1  }
0x4c: {  	_ =	swait.ge @!p0 [sflag:s0], s1  }
0x4d: {  	s1 =	ssub.s32 @!p0 $0x0, s1;
	[sflag:s0] =	ssyncset.done @!p0 $0x0  }
0x4e: {  	[sflag:s0] =	ssyncadd.s32 @!p0 s1  }
0x4f: {  	[bflag:$0x3] =	sbarrier.arrive $0xFFFF  }
0x50: {  	_ =	shalt  }

</sc_bundles>
